<compile_context>
chip_gen: v7x
topology: tpu7x:2x2x1
jax: 0.10.2.dev20260603
libtpu: 0.0.44.dev20260713+nightly
codegen_flags: <defaults>
</compile_context>

<pallas_src>
import functools

import jax
import jax.numpy as jnp
from jax import lax
from jax.experimental import pallas as pl
from jax.experimental.pallas import tpu as pltpu
from jax.experimental.pallas import tpu_sc as plsc

N_OUT = 64
ROWS = 64
COLS = 8192
LANES = 16
CHUNK = 64
GROUP = 4 * CHUNK
N_GROUPS = COLS // GROUP
N_WORKERS = 32
ROWS_PER_WORKER = ROWS // N_WORKERS


def _vsort(v):
    return lax.sort(v, dimension=0)


def _rev(v):
    return lax.rev(v, dimensions=(0,))


def _merge2(a, b):
    rb = _rev(b)
    lo = jnp.minimum(a, rb)
    hi = jnp.maximum(a, rb)
    return _vsort(lo), _vsort(hi)


def _merge4(a0, a1, b0, b1):
    rb0, rb1 = _rev(b1), _rev(b0)
    lo0 = jnp.minimum(a0, rb0)
    lo1 = jnp.minimum(a1, rb1)
    hi0 = jnp.maximum(a0, rb0)
    hi1 = jnp.maximum(a1, rb1)
    l0 = jnp.minimum(lo0, lo1)
    l1 = jnp.maximum(lo0, lo1)
    h0 = jnp.minimum(hi0, hi1)
    h1 = jnp.maximum(hi0, hi1)
    return _vsort(l0), _vsort(l1), _vsort(h0), _vsort(h1)


def _sort64(c0, c1, c2, c3):
    a0, a1 = _merge2(_vsort(c0), _vsort(c1))
    b0, b1 = _merge2(_vsort(c2), _vsort(c3))
    return _merge4(a0, a1, b0, b1)


def _keep_top64(r, c):
    r0, r1, r2, r3 = r
    c0, c1, c2, c3 = c
    rc0, rc1, rc2, rc3 = _rev(c3), _rev(c2), _rev(c1), _rev(c0)
    hi0 = jnp.maximum(r0, rc0)
    hi1 = jnp.maximum(r1, rc1)
    hi2 = jnp.maximum(r2, rc2)
    hi3 = jnp.maximum(r3, rc3)
    l0 = jnp.minimum(hi0, hi2)
    l1 = jnp.minimum(hi1, hi3)
    u0 = jnp.maximum(hi0, hi2)
    u1 = jnp.maximum(hi1, hi3)
    p0 = jnp.minimum(l0, l1)
    p1 = jnp.maximum(l0, l1)
    q0 = jnp.minimum(u0, u1)
    q1 = jnp.maximum(u0, u1)
    return _vsort(p0), _vsort(p1), _vsort(q0), _vsort(q1)


def _group_top64(row_v, base):
    def sorted_chunk(cbase):
        c = [row_v[pl.ds(cbase + k * LANES, LANES)] for k in range(4)]
        return _sort64(*c)

    s0 = sorted_chunk(base)
    s1 = sorted_chunk(base + CHUNK)
    s2 = sorted_chunk(base + 2 * CHUNK)
    s3 = sorted_chunk(base + 3 * CHUNK)
    return _keep_top64(_keep_top64(s0, s1), _keep_top64(s2, s3))


@functools.partial(
    pl.kernel,
    out_type=jax.ShapeDtypeStruct((ROWS, N_OUT), jnp.float32),
    mesh=plsc.VectorSubcoreMesh(core_axis_name="c", subcore_axis_name="s"),
    scratch_types=[
        pltpu.VMEM((COLS,), jnp.float32),
        pltpu.VMEM((COLS,), jnp.float32),
        pltpu.VMEM((N_OUT,), jnp.float32),
        pltpu.VMEM((N_OUT,), jnp.float32),
        pltpu.SemaphoreType.DMA,
        pltpu.SemaphoreType.DMA,
    ],
    compiler_params=pltpu.CompilerParams(needs_layout_passes=False),
)
def _sc_topn(x_hbm, o_hbm, rowa_v, rowb_v, outa_v, outb_v, sem_a, sem_b):
    wid = lax.axis_index("s") * 2 + lax.axis_index("c")
    row_a = wid * ROWS_PER_WORKER
    row_b = row_a + 1
    cp_a = pltpu.async_copy(x_hbm.at[row_a], rowa_v, sem_a)
    cp_b = pltpu.async_copy(x_hbm.at[row_b], rowb_v, sem_b)
    cp_a.wait()
    cp_b.wait()

    neg_inf = jnp.full((LANES,), -jnp.inf, jnp.float32)
    r_init = (neg_inf, neg_inf, neg_inf, neg_inf)

    def body(i, carry):
        ra, rb = carry[:4], carry[4:]
        base = i * GROUP
        ra = _keep_top64(ra, _group_top64(rowa_v, base))
        rb = _keep_top64(rb, _group_top64(rowb_v, base))
        return ra + rb

    carry = lax.fori_loop(0, N_GROUPS, body, r_init + r_init)
    ra, rb = carry[:4], carry[4:]

    for out_v, r in ((outa_v, ra), (outb_v, rb)):
        out_v[pl.ds(0, LANES)] = _rev(r[3])
        out_v[pl.ds(16, LANES)] = _rev(r[2])
        out_v[pl.ds(32, LANES)] = _rev(r[1])
        out_v[pl.ds(48, LANES)] = _rev(r[0])
    pltpu.sync_copy(outa_v, o_hbm.at[row_a])
    pltpu.sync_copy(outb_v, o_hbm.at[row_b])


def kernel(inputs):
    return _sc_topn(inputs)

# --- scband reference (transcript-rebuilt; emitter-appended) ---
"""Pipeline reference for scband-top-n-29300266893364 (READ-ONLY COPY).

The authoritative reference and input builder live on the scoring server;
editing this copy changes nothing except your own understanding.
"""

import jax, jax.numpy as jnp
import numpy as np

N_TOP = 64

def setup_inputs(seed: int = 0) -> dict:
    key = jax.random.key(seed)
    inputs = jax.random.normal(key, (64, 8192), dtype=jnp.float32)
    return {"inputs": inputs}

def reference(inputs):
    # argsort=False: tf.sort(inputs, direction='DESCENDING')[:, :N]
    sorted_desc = jnp.flip(jnp.sort(inputs, axis=-1), axis=-1)
    return sorted_desc[:, :N_TOP]

if __name__ == "__main__":
    import jax
    _d = setup_inputs()
    print(jax.jit(kernel)(*tuple(_d.values())))

</pallas_src>

<mosaic_0001>
#map = affine_map<(d0, d1) -> (0, 0)>
module attributes {stable_mosaic.version = 14 : i64} {
  func.func @_sc_topn(%arg0: i32, %arg1: i32, %arg2: memref<64x8192xf32, #tpu.memory_space<hbm>>, %arg3: memref<64x64xf32, #tpu.memory_space<hbm>>, %arg4: memref<8192xf32, #tpu.memory_space<vmem>>, %arg5: memref<8192xf32, #tpu.memory_space<vmem>>, %arg6: memref<64xf32, #tpu.memory_space<vmem>>, %arg7: memref<64xf32, #tpu.memory_space<vmem>>, %arg8: memref<!tpu.dma_semaphore, #tpu.memory_space<semaphore_mem>>, %arg9: memref<!tpu.dma_semaphore, #tpu.memory_space<semaphore_mem>>) attributes {dimension_semantics = [#tpu.dimension_semantics<core_parallel>, #tpu.dimension_semantics<subcore_parallel>], iteration_bounds = array<i64: 2, 16>, scalar_prefetch = 0 : i64, scratch_operands = 6 : i64, tpu.core_type = #tpu.core_type<sc_vector_subcore>, window_params = [{transform_indices = #map}, {transform_indices = #map}]} {
    %mul3A = arith.constant 2 : i32
    %mul3A_0 = arith.muli %arg1, %mul3A : i32
    %add3A = arith.addi %mul3A_0, %arg0 : i32
    %mul3A_1 = arith.constant 2 : i32
    %mul3A_2 = arith.muli %add3A, %mul3A_1 : i32
    %add3A_3 = arith.constant 1 : i32
    %add3A_4 = arith.addi %mul3A_2, %add3A_3 : i32
    %dma_start3A = arith.constant 0 : i32
    %dma_start3A_5 = tpu.memref_slice %arg2[%mul3A_2, %dma_start3A] : memref<64x8192xf32, #tpu.memory_space<hbm>> -> memref<1x8192xf32, #tpu.memory_space<hbm>>
    %dma_start3A_6 = tpu.memref_squeeze %dma_start3A_5 : memref<1x8192xf32, #tpu.memory_space<hbm>> -> memref<8192xf32, #tpu.memory_space<hbm>>
    %dma_start3A_7 = arith.constant 0 : i32
    %dma_start3A_8 = tpu.memref_slice %arg2[%mul3A_2, %dma_start3A_7] : memref<64x8192xf32, #tpu.memory_space<hbm>> -> memref<1x8192xf32, #tpu.memory_space<hbm>>
    %dma_start3A_9 = tpu.memref_squeeze %dma_start3A_8 : memref<1x8192xf32, #tpu.memory_space<hbm>> -> memref<8192xf32, #tpu.memory_space<hbm>>
    tpu.enqueue_dma source(%dma_start3A_9 : memref<8192xf32, #tpu.memory_space<hbm>>) target(%arg4 : memref<8192xf32, #tpu.memory_space<vmem>>) target_semaphore(%arg8 : memref<!tpu.dma_semaphore, #tpu.memory_space<semaphore_mem>>)
    %dma_start3A_10 = arith.constant 0 : i32
    %dma_start3A_11 = tpu.memref_slice %arg2[%add3A_4, %dma_start3A_10] : memref<64x8192xf32, #tpu.memory_space<hbm>> -> memref<1x8192xf32, #tpu.memory_space<hbm>>
    %dma_start3A_12 = tpu.memref_squeeze %dma_start3A_11 : memref<1x8192xf32, #tpu.memory_space<hbm>> -> memref<8192xf32, #tpu.memory_space<hbm>>
    %dma_start3A_13 = arith.constant 0 : i32
    %dma_start3A_14 = tpu.memref_slice %arg2[%add3A_4, %dma_start3A_13] : memref<64x8192xf32, #tpu.memory_space<hbm>> -> memref<1x8192xf32, #tpu.memory_space<hbm>>
    %dma_start3A_15 = tpu.memref_squeeze %dma_start3A_14 : memref<1x8192xf32, #tpu.memory_space<hbm>> -> memref<8192xf32, #tpu.memory_space<hbm>>
    tpu.enqueue_dma source(%dma_start3A_15 : memref<8192xf32, #tpu.memory_space<hbm>>) target(%arg5 : memref<8192xf32, #tpu.memory_space<vmem>>) target_semaphore(%arg9 : memref<!tpu.dma_semaphore, #tpu.memory_space<semaphore_mem>>)
    %dma_wait3A = arith.constant 0 : i32
    %dma_wait3A_16 = tpu.memref_slice %arg2[%mul3A_2, %dma_wait3A] : memref<64x8192xf32, #tpu.memory_space<hbm>> -> memref<1x8192xf32, #tpu.memory_space<hbm>>
    %dma_wait3A_17 = tpu.memref_squeeze %dma_wait3A_16 : memref<1x8192xf32, #tpu.memory_space<hbm>> -> memref<8192xf32, #tpu.memory_space<hbm>>
    %dma_wait3A_18 = arith.constant 0 : i32
    %dma_wait3A_19 = tpu.memref_slice %arg2[%mul3A_2, %dma_wait3A_18] : memref<64x8192xf32, #tpu.memory_space<hbm>> -> memref<1x8192xf32, #tpu.memory_space<hbm>>
    %dma_wait3A_20 = tpu.memref_squeeze %dma_wait3A_19 : memref<1x8192xf32, #tpu.memory_space<hbm>> -> memref<8192xf32, #tpu.memory_space<hbm>>
    tpu.wait_dma2 semaphore(%arg8 : memref<!tpu.dma_semaphore, #tpu.memory_space<semaphore_mem>>) src(%dma_wait3A_20 : memref<8192xf32, #tpu.memory_space<hbm>>) dst(%arg4 : memref<8192xf32, #tpu.memory_space<vmem>>)
    %dma_wait3A_21 = arith.constant 0 : i32
    %dma_wait3A_22 = tpu.memref_slice %arg2[%add3A_4, %dma_wait3A_21] : memref<64x8192xf32, #tpu.memory_space<hbm>> -> memref<1x8192xf32, #tpu.memory_space<hbm>>
    %dma_wait3A_23 = tpu.memref_squeeze %dma_wait3A_22 : memref<1x8192xf32, #tpu.memory_space<hbm>> -> memref<8192xf32, #tpu.memory_space<hbm>>
    %dma_wait3A_24 = arith.constant 0 : i32
    %dma_wait3A_25 = tpu.memref_slice %arg2[%add3A_4, %dma_wait3A_24] : memref<64x8192xf32, #tpu.memory_space<hbm>> -> memref<1x8192xf32, #tpu.memory_space<hbm>>
    %dma_wait3A_26 = tpu.memref_squeeze %dma_wait3A_25 : memref<1x8192xf32, #tpu.memory_space<hbm>> -> memref<8192xf32, #tpu.memory_space<hbm>>
    tpu.wait_dma2 semaphore(%arg9 : memref<!tpu.dma_semaphore, #tpu.memory_space<semaphore_mem>>) src(%dma_wait3A_26 : memref<8192xf32, #tpu.memory_space<hbm>>) dst(%arg5 : memref<8192xf32, #tpu.memory_space<vmem>>)
    %broadcast_in_dim3A = arith.constant 0xFF800000 : f32
    %broadcast_in_dim3A_27 = vector.broadcast %broadcast_in_dim3A : f32 to vector<16xf32>
    %scan3A = arith.constant 0 : i32
    %scan3A_28 = arith.constant 32 : i32
    %scan3A_29 = arith.addi %scan3A, %scan3A_28 : i32
    %scan3A_30 = arith.constant 1 : i32
    %scan3A_31:8 = scf.for %scan3A_87 = %scan3A to %scan3A_29 step %scan3A_30 iter_args(%scan3A_88 = %broadcast_in_dim3A_27, %scan3A_89 = %broadcast_in_dim3A_27, %scan3A_90 = %broadcast_in_dim3A_27, %scan3A_91 = %broadcast_in_dim3A_27, %scan3A_92 = %broadcast_in_dim3A_27, %scan3A_93 = %broadcast_in_dim3A_27, %scan3A_94 = %broadcast_in_dim3A_27, %scan3A_95 = %broadcast_in_dim3A_27) -> (vector<16xf32>, vector<16xf32>, vector<16xf32>, vector<16xf32>, vector<16xf32>, vector<16xf32>, vector<16xf32>, vector<16xf32>)  : i32 {
      %mul3A_96 = arith.constant 256 : i32
      %mul3A_97 = arith.muli %scan3A_87, %mul3A_96 : i32
      %add3A_98 = arith.constant 0 : i32
      %add3A_99 = arith.addi %mul3A_97, %add3A_98 : i32
      %get3A = arith.index_cast %add3A_99 : i32 to index
      %get3A_100 = tpu.vector_load %arg4[%get3A] {strides = array<i32>} : memref<8192xf32, #tpu.memory_space<vmem>>, vector<16xf32>,
      %add3A_101 = arith.constant 16 : i32
      %add3A_102 = arith.addi %mul3A_97, %add3A_101 : i32
      %get3A_103 = arith.index_cast %add3A_102 : i32 to index
      %get3A_104 = tpu.vector_load %arg4[%get3A_103] {strides = array<i32>} : memref<8192xf32, #tpu.memory_space<vmem>>, vector<16xf32>,
      %add3A_105 = arith.constant 32 : i32
      %add3A_106 = arith.addi %mul3A_97, %add3A_105 : i32
      %get3A_107 = arith.index_cast %add3A_106 : i32 to index
      %get3A_108 = tpu.vector_load %arg4[%get3A_107] {strides = array<i32>} : memref<8192xf32, #tpu.memory_space<vmem>>, vector<16xf32>,
      %add3A_109 = arith.constant 48 : i32
      %add3A_110 = arith.addi %mul3A_97, %add3A_109 : i32
      %get3A_111 = arith.index_cast %add3A_110 : i32 to index
      %get3A_112 = tpu.vector_load %arg4[%get3A_111] {strides = array<i32>} : memref<8192xf32, #tpu.memory_space<vmem>>, vector<16xf32>,
      %sort3A = arith.constant dense<true> : vector<16xi1>
      %sort3A_113, %sort3A_114, %sort3A_115 = tpu.sort %get3A_100, %get3A_100 masked %sort3A : (vector<16xf32>, vector<16xf32>, vector<16xi1>) -> (vector<16xi1>, vector<16xf32>, vector<16xf32>)
      %sort3A_116 = arith.constant dense<true> : vector<16xi1>
      %sort3A_117, %sort3A_118, %sort3A_119 = tpu.sort %get3A_104, %get3A_104 masked %sort3A_116 : (vector<16xf32>, vector<16xf32>, vector<16xi1>) -> (vector<16xi1>, vector<16xf32>, vector<16xf32>)
      %rev3A_120 = arith.constant 15 : i32
      %rev3A_121 = vector.broadcast %rev3A_120 : i32 to vector<16xi32>
      %rev3A_122 = tpu.iota {dimensions = array<i32: 0>} : vector<16xi32>
      %rev3A_123 = arith.subi %rev3A_121, %rev3A_122 : vector<16xi32>
      %rev3A_124 = tpu.dynamic_gather %sort3A_118[%rev3A_123] in [0] : vector<16xf32>, vector<16xi32> -> vector<16xf32>
      %min3A = arith.minimumf %sort3A_114, %rev3A_124 : vector<16xf32>
      %max3A = arith.maximumf %sort3A_114, %rev3A_124 : vector<16xf32>
      %sort3A_125 = arith.constant dense<true> : vector<16xi1>
      %sort3A_126, %sort3A_127, %sort3A_128 = tpu.sort %min3A, %min3A masked %sort3A_125 : (vector<16xf32>, vector<16xf32>, vector<16xi1>) -> (vector<16xi1>, vector<16xf32>, vector<16xf32>)
      %sort3A_129 = arith.constant dense<true> : vector<16xi1>
      %sort3A_130, %sort3A_131, %sort3A_132 = tpu.sort %max3A, %max3A masked %sort3A_129 : (vector<16xf32>, vector<16xf32>, vector<16xi1>) -> (vector<16xi1>, vector<16xf32>, vector<16xf32>)
      %sort3A_133 = arith.constant dense<true> : vector<16xi1>
      %sort3A_134, %sort3A_135, %sort3A_136 = tpu.sort %get3A_108, %get3A_108 masked %sort3A_133 : (vector<16xf32>, vector<16xf32>, vector<16xi1>) -> (vector<16xi1>, vector<16xf32>, vector<16xf32>)
      %sort3A_137 = arith.constant dense<true> : vector<16xi1>
      %sort3A_138, %sort3A_139, %sort3A_140 = tpu.sort %get3A_112, %get3A_112 masked %sort3A_137 : (vector<16xf32>, vector<16xf32>, vector<16xi1>) -> (vector<16xi1>, vector<16xf32>, vector<16xf32>)
      %rev3A_141 = arith.constant 15 : i32
      %rev3A_142 = vector.broadcast %rev3A_141 : i32 to vector<16xi32>
      %rev3A_143 = tpu.iota {dimensions = array<i32: 0>} : vector<16xi32>
      %rev3A_144 = arith.subi %rev3A_142, %rev3A_143 : vector<16xi32>
      %rev3A_145 = tpu.dynamic_gather %sort3A_139[%rev3A_144] in [0] : vector<16xf32>, vector<16xi32> -> vector<16xf32>
      %min3A_146 = arith.minimumf %sort3A_135, %rev3A_145 : vector<16xf32>
      %max3A_147 = arith.maximumf %sort3A_135, %rev3A_145 : vector<16xf32>
      %sort3A_148 = arith.constant dense<true> : vector<16xi1>
      %sort3A_149, %sort3A_150, %sort3A_151 = tpu.sort %min3A_146, %min3A_146 masked %sort3A_148 : (vector<16xf32>, vector<16xf32>, vector<16xi1>) -> (vector<16xi1>, vector<16xf32>, vector<16xf32>)
      %sort3A_152 = arith.constant dense<true> : vector<16xi1>
      %sort3A_153, %sort3A_154, %sort3A_155 = tpu.sort %max3A_147, %max3A_147 masked %sort3A_152 : (vector<16xf32>, vector<16xf32>, vector<16xi1>) -> (vector<16xi1>, vector<16xf32>, vector<16xf32>)
      %rev3A_156 = arith.constant 15 : i32
      %rev3A_157 = vector.broadcast %rev3A_156 : i32 to vector<16xi32>
      %rev3A_158 = tpu.iota {dimensions = array<i32: 0>} : vector<16xi32>
      %rev3A_159 = arith.subi %rev3A_157, %rev3A_158 : vector<16xi32>
      %rev3A_160 = tpu.dynamic_gather %sort3A_154[%rev3A_159] in [0] : vector<16xf32>, vector<16xi32> -> vector<16xf32>
      %rev3A_161 = arith.constant 15 : i32
      %rev3A_162 = vector.broadcast %rev3A_161 : i32 to vector<16xi32>
      %rev3A_163 = tpu.iota {dimensions = array<i32: 0>} : vector<16xi32>
      %rev3A_164 = arith.subi %rev3A_162, %rev3A_163 : vector<16xi32>
      %rev3A_165 = tpu.dynamic_gather %sort3A_150[%rev3A_164] in [0] : vector<16xf32>, vector<16xi32> -> vector<16xf32>
      %min3A_166 = arith.minimumf %sort3A_127, %rev3A_160 : vector<16xf32>
      %min3A_167 = arith.minimumf %sort3A_131, %rev3A_165 : vector<16xf32>
      %max3A_168 = arith.maximumf %sort3A_127, %rev3A_160 : vector<16xf32>
      %max3A_169 = arith.maximumf %sort3A_131, %rev3A_165 : vector<16xf32>
      %min3A_170 = arith.minimumf %min3A_166, %min3A_167 : vector<16xf32>
      %max3A_171 = arith.maximumf %min3A_166, %min3A_167 : vector<16xf32>
      %min3A_172 = arith.minimumf %max3A_168, %max3A_169 : vector<16xf32>
      %max3A_173 = arith.maximumf %max3A_168, %max3A_169 : vector<16xf32>
      %sort3A_174 = arith.constant dense<true> : vector<16xi1>
      %sort3A_175, %sort3A_176, %sort3A_177 = tpu.sort %min3A_170, %min3A_170 masked %sort3A_174 : (vector<16xf32>, vector<16xf32>, vector<16xi1>) -> (vector<16xi1>, vector<16xf32>, vector<16xf32>)
      %sort3A_178 = arith.constant dense<true> : vector<16xi1>
      %sort3A_179, %sort3A_180, %sort3A_181 = tpu.sort %max3A_171, %max3A_171 masked %sort3A_178 : (vector<16xf32>, vector<16xf32>, vector<16xi1>) -> (vector<16xi1>, vector<16xf32>, vector<16xf32>)
      %sort3A_182 = arith.constant dense<true> : vector<16xi1>
      %sort3A_183, %sort3A_184, %sort3A_185 = tpu.sort %min3A_172, %min3A_172 masked %sort3A_182 : (vector<16xf32>, vector<16xf32>, vector<16xi1>) -> (vector<16xi1>, vector<16xf32>, vector<16xf32>)
      %sort3A_186 = arith.constant dense<true> : vector<16xi1>
      %sort3A_187, %sort3A_188, %sort3A_189 = tpu.sort %max3A_173, %max3A_173 masked %sort3A_186 : (vector<16xf32>, vector<16xf32>, vector<16xi1>) -> (vector<16xi1>, vector<16xf32>, vector<16xf32>)
      %add3A_190 = arith.constant 64 : i32
      %add3A_191 = arith.addi %mul3A_97, %add3A_190 : i32
      %add3A_192 = arith.constant 0 : i32
      %add3A_193 = arith.addi %add3A_191, %add3A_192 : i32
      %get3A_194 = arith.index_cast %add3A_193 : i32 to index
      %get3A_195 = tpu.vector_load %arg4[%get3A_194] {strides = array<i32>} : memref<8192xf32, #tpu.memory_space<vmem>>, vector<16xf32>,
      %add3A_196 = arith.constant 16 : i32
      %add3A_197 = arith.addi %add3A_191, %add3A_196 : i32
      %get3A_198 = arith.index_cast %add3A_197 : i32 to index
      %get3A_199 = tpu.vector_load %arg4[%get3A_198] {strides = array<i32>} : memref<8192xf32, #tpu.memory_space<vmem>>, vector<16xf32>,
      %add3A_200 = arith.constant 32 : i32
      %add3A_201 = arith.addi %add3A_191, %add3A_200 : i32
      %get3A_202 = arith.index_cast %add3A_201 : i32 to index
      %get3A_203 = tpu.vector_load %arg4[%get3A_202] {strides = array<i32>} : memref<8192xf32, #tpu.memory_space<vmem>>, vector<16xf32>,
      %add3A_204 = arith.constant 48 : i32
      %add3A_205 = arith.addi %add3A_191, %add3A_204 : i32
      %get3A_206 = arith.index_cast %add3A_205 : i32 to index
      %get3A_207 = tpu.vector_load %arg4[%get3A_206] {strides = array<i32>} : memref<8192xf32, #tpu.memory_space<vmem>>, vector<16xf32>,
      %sort3A_208 = arith.constant dense<true> : vector<16xi1>
      %sort3A_209, %sort3A_210, %sort3A_211 = tpu.sort %get3A_195, %get3A_195 masked %sort3A_208 : (vector<16xf32>, vector<16xf32>, vector<16xi1>) -> (vector<16xi1>, vector<16xf32>, vector<16xf32>)
      %sort3A_212 = arith.constant dense<true> : vector<16xi1>
      %sort3A_213, %sort3A_214, %sort3A_215 = tpu.sort %get3A_199, %get3A_199 masked %sort3A_212 : (vector<16xf32>, vector<16xf32>, vector<16xi1>) -> (vector<16xi1>, vector<16xf32>, vector<16xf32>)
      %rev3A_216 = arith.constant 15 : i32
      %rev3A_217 = vector.broadcast %rev3A_216 : i32 to vector<16xi32>
      %rev3A_218 = tpu.iota {dimensions = array<i32: 0>} : vector<16xi32>
      %rev3A_219 = arith.subi %rev3A_217, %rev3A_218 : vector<16xi32>
      %rev3A_220 = tpu.dynamic_gather %sort3A_214[%rev3A_219] in [0] : vector<16xf32>, vector<16xi32> -> vector<16xf32>
      %min3A_221 = arith.minimumf %sort3A_210, %rev3A_220 : vector<16xf32>
      %max3A_222 = arith.maximumf %sort3A_210, %rev3A_220 : vector<16xf32>
      %sort3A_223 = arith.constant dense<true> : vector<16xi1>
      %sort3A_224, %sort3A_225, %sort3A_226 = tpu.sort %min3A_221, %min3A_221 masked %sort3A_223 : (vector<16xf32>, vector<16xf32>, vector<16xi1>) -> (vector<16xi1>, vector<16xf32>, vector<16xf32>)
      %sort3A_227 = arith.constant dense<true> : vector<16xi1>
      %sort3A_228, %sort3A_229, %sort3A_230 = tpu.sort %max3A_222, %max3A_222 masked %sort3A_227 : (vector<16xf32>, vector<16xf32>, vector<16xi1>) -> (vector<16xi1>, vector<16xf32>, vector<16xf32>)
      %sort3A_231 = arith.constant dense<true> : vector<16xi1>
      %sort3A_232, %sort3A_233, %sort3A_234 = tpu.sort %get3A_203, %get3A_203 masked %sort3A_231 : (vector<16xf32>, vector<16xf32>, vector<16xi1>) -> (vector<16xi1>, vector<16xf32>, vector<16xf32>)
      %sort3A_235 = arith.constant dense<true> : vector<16xi1>
      %sort3A_236, %sort3A_237, %sort3A_238 = tpu.sort %get3A_207, %get3A_207 masked %sort3A_235 : (vector<16xf32>, vector<16xf32>, vector<16xi1>) -> (vector<16xi1>, vector<16xf32>, vector<16xf32>)
      %rev3A_239 = arith.constant 15 : i32
      %rev3A_240 = vector.broadcast %rev3A_239 : i32 to vector<16xi32>
      %rev3A_241 = tpu.iota {dimensions = array<i32: 0>} : vector<16xi32>
      %rev3A_242 = arith.subi %rev3A_240, %rev3A_241 : vector<16xi32>
      %rev3A_243 = tpu.dynamic_gather %sort3A_237[%rev3A_242] in [0] : vector<16xf32>, vector<16xi32> -> vector<16xf32>
      %min3A_244 = arith.minimumf %sort3A_233, %rev3A_243 : vector<16xf32>
      %max3A_245 = arith.maximumf %sort3A_233, %rev3A_243 : vector<16xf32>
      %sort3A_246 = arith.constant dense<true> : vector<16xi1>
      %sort3A_247, %sort3A_248, %sort3A_249 = tpu.sort %min3A_244, %min3A_244 masked %sort3A_246 : (vector<16xf32>, vector<16xf32>, vector<16xi1>) -> (vector<16xi1>, vector<16xf32>, vector<16xf32>)
      %sort3A_250 = arith.constant dense<true> : vector<16xi1>
      %sort3A_251, %sort3A_252, %sort3A_253 = tpu.sort %max3A_245, %max3A_245 masked %sort3A_250 : (vector<16xf32>, vector<16xf32>, vector<16xi1>) -> (vector<16xi1>, vector<16xf32>, vector<16xf32>)
      %rev3A_254 = arith.constant 15 : i32
      %rev3A_255 = vector.broadcast %rev3A_254 : i32 to vector<16xi32>
      %rev3A_256 = tpu.iota {dimensions = array<i32: 0>} : vector<16xi32>
      %rev3A_257 = arith.subi %rev3A_255, %rev3A_256 : vector<16xi32>
      %rev3A_258 = tpu.dynamic_gather %sort3A_252[%rev3A_257] in [0] : vector<16xf32>, vector<16xi32> -> vector<16xf32>
      %rev3A_259 = arith.constant 15 : i32
      %rev3A_260 = vector.broadcast %rev3A_259 : i32 to vector<16xi32>
      %rev3A_261 = tpu.iota {dimensions = array<i32: 0>} : vector<16xi32>
      %rev3A_262 = arith.subi %rev3A_260, %rev3A_261 : vector<16xi32>
      %rev3A_263 = tpu.dynamic_gather %sort3A_248[%rev3A_262] in [0] : vector<16xf32>, vector<16xi32> -> vector<16xf32>
      %min3A_264 = arith.minimumf %sort3A_225, %rev3A_258 : vector<16xf32>
      %min3A_265 = arith.minimumf %sort3A_229, %rev3A_263 : vector<16xf32>
      %max3A_266 = arith.maximumf %sort3A_225, %rev3A_258 : vector<16xf32>
      %max3A_267 = arith.maximumf %sort3A_229, %rev3A_263 : vector<16xf32>
      %min3A_268 = arith.minimumf %min3A_264, %min3A_265 : vector<16xf32>
      %max3A_269 = arith.maximumf %min3A_264, %min3A_265 : vector<16xf32>
      %min3A_270 = arith.minimumf %max3A_266, %max3A_267 : vector<16xf32>
      %max3A_271 = arith.maximumf %max3A_266, %max3A_267 : vector<16xf32>
      %sort3A_272 = arith.constant dense<true> : vector<16xi1>
      %sort3A_273, %sort3A_274, %sort3A_275 = tpu.sort %min3A_268, %min3A_268 masked %sort3A_272 : (vector<16xf32>, vector<16xf32>, vector<16xi1>) -> (vector<16xi1>, vector<16xf32>, vector<16xf32>)
      %sort3A_276 = arith.constant dense<true> : vector<16xi1>
      %sort3A_277, %sort3A_278, %sort3A_279 = tpu.sort %max3A_269, %max3A_269 masked %sort3A_276 : (vector<16xf32>, vector<16xf32>, vector<16xi1>) -> (vector<16xi1>, vector<16xf32>, vector<16xf32>)
      %sort3A_280 = arith.constant dense<true> : vector<16xi1>
      %sort3A_281, %sort3A_282, %sort3A_283 = tpu.sort %min3A_270, %min3A_270 masked %sort3A_280 : (vector<16xf32>, vector<16xf32>, vector<16xi1>) -> (vector<16xi1>, vector<16xf32>, vector<16xf32>)
      %sort3A_284 = arith.constant dense<true> : vector<16xi1>
      %sort3A_285, %sort3A_286, %sort3A_287 = tpu.sort %max3A_271, %max3A_271 masked %sort3A_284 : (vector<16xf32>, vector<16xf32>, vector<16xi1>) -> (vector<16xi1>, vector<16xf32>, vector<16xf32>)
      %add3A_288 = arith.constant 128 : i32
      %add3A_289 = arith.addi %mul3A_97, %add3A_288 : i32
      %add3A_290 = arith.constant 0 : i32
      %add3A_291 = arith.addi %add3A_289, %add3A_290 : i32
      %get3A_292 = arith.index_cast %add3A_291 : i32 to index
      %get3A_293 = tpu.vector_load %arg4[%get3A_292] {strides = array<i32>} : memref<8192xf32, #tpu.memory_space<vmem>>, vector<16xf32>,
      %add3A_294 = arith.constant 16 : i32
      %add3A_295 = arith.addi %add3A_289, %add3A_294 : i32
      %get3A_296 = arith.index_cast %add3A_295 : i32 to index
      %get3A_297 = tpu.vector_load %arg4[%get3A_296] {strides = array<i32>} : memref<8192xf32, #tpu.memory_space<vmem>>, vector<16xf32>,
      %add3A_298 = arith.constant 32 : i32
      %add3A_299 = arith.addi %add3A_289, %add3A_298 : i32
      %get3A_300 = arith.index_cast %add3A_299 : i32 to index
      %get3A_301 = tpu.vector_load %arg4[%get3A_300] {strides = array<i32>} : memref<8192xf32, #tpu.memory_space<vmem>>, vector<16xf32>,
      %add3A_302 = arith.constant 48 : i32
      %add3A_303 = arith.addi %add3A_289, %add3A_302 : i32
      %get3A_304 = arith.index_cast %add3A_303 : i32 to index
      %get3A_305 = tpu.vector_load %arg4[%get3A_304] {strides = array<i32>} : memref<8192xf32, #tpu.memory_space<vmem>>, vector<16xf32>,
      %sort3A_306 = arith.constant dense<true> : vector<16xi1>
      %sort3A_307, %sort3A_308, %sort3A_309 = tpu.sort %get3A_293, %get3A_293 masked %sort3A_306 : (vector<16xf32>, vector<16xf32>, vector<16xi1>) -> (vector<16xi1>, vector<16xf32>, vector<16xf32>)
      %sort3A_310 = arith.constant dense<true> : vector<16xi1>
      %sort3A_311, %sort3A_312, %sort3A_313 = tpu.sort %get3A_297, %get3A_297 masked %sort3A_310 : (vector<16xf32>, vector<16xf32>, vector<16xi1>) -> (vector<16xi1>, vector<16xf32>, vector<16xf32>)
      %rev3A_314 = arith.constant 15 : i32
      %rev3A_315 = vector.broadcast %rev3A_314 : i32 to vector<16xi32>
      %rev3A_316 = tpu.iota {dimensions = array<i32: 0>} : vector<16xi32>
      %rev3A_317 = arith.subi %rev3A_315, %rev3A_316 : vector<16xi32>
      %rev3A_318 = tpu.dynamic_gather %sort3A_312[%rev3A_317] in [0] : vector<16xf32>, vector<16xi32> -> vector<16xf32>
      %min3A_319 = arith.minimumf %sort3A_308, %rev3A_318 : vector<16xf32>
      %max3A_320 = arith.maximumf %sort3A_308, %rev3A_318 : vector<16xf32>
      %sort3A_321 = arith.constant dense<true> : vector<16xi1>
      %sort3A_322, %sort3A_323, %sort3A_324 = tpu.sort %min3A_319, %min3A_319 masked %sort3A_321 : (vector<16xf32>, vector<16xf32>, vector<16xi1>) -> (vector<16xi1>, vector<16xf32>, vector<16xf32>)
      %sort3A_325 = arith.constant dense<true> : vector<16xi1>
      %sort3A_326, %sort3A_327, %sort3A_328 = tpu.sort %max3A_320, %max3A_320 masked %sort3A_325 : (vector<16xf32>, vector<16xf32>, vector<16xi1>) -> (vector<16xi1>, vector<16xf32>, vector<16xf32>)
      %sort3A_329 = arith.constant dense<true> : vector<16xi1>
      %sort3A_330, %sort3A_331, %sort3A_332 = tpu.sort %get3A_301, %get3A_301 masked %sort3A_329 : (vector<16xf32>, vector<16xf32>, vector<16xi1>) -> (vector<16xi1>, vector<16xf32>, vector<16xf32>)
      %sort3A_333 = arith.constant dense<true> : vector<16xi1>
      %sort3A_334, %sort3A_335, %sort3A_336 = tpu.sort %get3A_305, %get3A_305 masked %sort3A_333 : (vector<16xf32>, vector<16xf32>, vector<16xi1>) -> (vector<16xi1>, vector<16xf32>, vector<16xf32>)
      %rev3A_337 = arith.constant 15 : i32
      %rev3A_338 = vector.broadcast %rev3A_337 : i32 to vector<16xi32>
      %rev3A_339 = tpu.iota {dimensions = array<i32: 0>} : vector<16xi32>
      %rev3A_340 = arith.subi %rev3A_338, %rev3A_339 : vector<16xi32>
      %rev3A_341 = tpu.dynamic_gather %sort3A_335[%rev3A_340] in [0] : vector<16xf32>, vector<16xi32> -> vector<16xf32>
      %min3A_342 = arith.minimumf %sort3A_331, %rev3A_341 : vector<16xf32>
      %max3A_343 = arith.maximumf %sort3A_331, %rev3A_341 : vector<16xf32>
      %sort3A_344 = arith.constant dense<true> : vector<16xi1>
      %sort3A_345, %sort3A_346, %sort3A_347 = tpu.sort %min3A_342, %min3A_342 masked %sort3A_344 : (vector<16xf32>, vector<16xf32>, vector<16xi1>) -> (vector<16xi1>, vector<16xf32>, vector<16xf32>)
      %sort3A_348 = arith.constant dense<true> : vector<16xi1>
      %sort3A_349, %sort3A_350, %sort3A_351 = tpu.sort %max3A_343, %max3A_343 masked %sort3A_348 : (vector<16xf32>, vector<16xf32>, vector<16xi1>) -> (vector<16xi1>, vector<16xf32>, vector<16xf32>)
      %rev3A_352 = arith.constant 15 : i32
      %rev3A_353 = vector.broadcast %rev3A_352 : i32 to vector<16xi32>
      %rev3A_354 = tpu.iota {dimensions = array<i32: 0>} : vector<16xi32>
      %rev3A_355 = arith.subi %rev3A_353, %rev3A_354 : vector<16xi32>
      %rev3A_356 = tpu.dynamic_gather %sort3A_350[%rev3A_355] in [0] : vector<16xf32>, vector<16xi32> -> vector<16xf32>
      %rev3A_357 = arith.constant 15 : i32
      %rev3A_358 = vector.broadcast %rev3A_357 : i32 to vector<16xi32>
      %rev3A_359 = tpu.iota {dimensions = array<i32: 0>} : vector<16xi32>
      %rev3A_360 = arith.subi %rev3A_358, %rev3A_359 : vector<16xi32>
      %rev3A_361 = tpu.dynamic_gather %sort3A_346[%rev3A_360] in [0] : vector<16xf32>, vector<16xi32> -> vector<16xf32>
      %min3A_362 = arith.minimumf %sort3A_323, %rev3A_356 : vector<16xf32>
      %min3A_363 = arith.minimumf %sort3A_327, %rev3A_361 : vector<16xf32>
      %max3A_364 = arith.maximumf %sort3A_323, %rev3A_356 : vector<16xf32>
      %max3A_365 = arith.maximumf %sort3A_327, %rev3A_361 : vector<16xf32>
      %min3A_366 = arith.minimumf %min3A_362, %min3A_363 : vector<16xf32>
      %max3A_367 = arith.maximumf %min3A_362, %min3A_363 : vector<16xf32>
      %min3A_368 = arith.minimumf %max3A_364, %max3A_365 : vector<16xf32>
      %max3A_369 = arith.maximumf %max3A_364, %max3A_365 : vector<16xf32>
      %sort3A_370 = arith.constant dense<true> : vector<16xi1>
      %sort3A_371, %sort3A_372, %sort3A_373 = tpu.sort %min3A_366, %min3A_366 masked %sort3A_370 : (vector<16xf32>, vector<16xf32>, vector<16xi1>) -> (vector<16xi1>, vector<16xf32>, vector<16xf32>)
      %sort3A_374 = arith.constant dense<true> : vector<16xi1>
      %sort3A_375, %sort3A_376, %sort3A_377 = tpu.sort %max3A_367, %max3A_367 masked %sort3A_374 : (vector<16xf32>, vector<16xf32>, vector<16xi1>) -> (vector<16xi1>, vector<16xf32>, vector<16xf32>)
      %sort3A_378 = arith.constant dense<true> : vector<16xi1>
      %sort3A_379, %sort3A_380, %sort3A_381 = tpu.sort %min3A_368, %min3A_368 masked %sort3A_378 : (vector<16xf32>, vector<16xf32>, vector<16xi1>) -> (vector<16xi1>, vector<16xf32>, vector<16xf32>)
      %sort3A_382 = arith.constant dense<true> : vector<16xi1>
      %sort3A_383, %sort3A_384, %sort3A_385 = tpu.sort %max3A_369, %max3A_369 masked %sort3A_382 : (vector<16xf32>, vector<16xf32>, vector<16xi1>) -> (vector<16xi1>, vector<16xf32>, vector<16xf32>)
      %add3A_386 = arith.constant 192 : i32
      %add3A_387 = arith.addi %mul3A_97, %add3A_386 : i32
      %add3A_388 = arith.constant 0 : i32
      %add3A_389 = arith.addi %add3A_387, %add3A_388 : i32
      %get3A_390 = arith.index_cast %add3A_389 : i32 to index
      %get3A_391 = tpu.vector_load %arg4[%get3A_390] {strides = array<i32>} : memref<8192xf32, #tpu.memory_space<vmem>>, vector<16xf32>,
      %add3A_392 = arith.constant 16 : i32
      %add3A_393 = arith.addi %add3A_387, %add3A_392 : i32
      %get3A_394 = arith.index_cast %add3A_393 : i32 to index
      %get3A_395 = tpu.vector_load %arg4[%get3A_394] {strides = array<i32>} : memref<8192xf32, #tpu.memory_space<vmem>>, vector<16xf32>,
      %add3A_396 = arith.constant 32 : i32
      %add3A_397 = arith.addi %add3A_387, %add3A_396 : i32
      %get3A_398 = arith.index_cast %add3A_397 : i32 to index
      %get3A_399 = tpu.vector_load %arg4[%get3A_398] {strides = array<i32>} : memref<8192xf32, #tpu.memory_space<vmem>>, vector<16xf32>,
      %add3A_400 = arith.constant 48 : i32
      %add3A_401 = arith.addi %add3A_387, %add3A_400 : i32
      %get3A_402 = arith.index_cast %add3A_401 : i32 to index
      %get3A_403 = tpu.vector_load %arg4[%get3A_402] {strides = array<i32>} : memref<8192xf32, #tpu.memory_space<vmem>>, vector<16xf32>,
      %sort3A_404 = arith.constant dense<true> : vector<16xi1>
      %sort3A_405, %sort3A_406, %sort3A_407 = tpu.sort %get3A_391, %get3A_391 masked %sort3A_404 : (vector<16xf32>, vector<16xf32>, vector<16xi1>) -> (vector<16xi1>, vector<16xf32>, vector<16xf32>)
      %sort3A_408 = arith.constant dense<true> : vector<16xi1>
      %sort3A_409, %sort3A_410, %sort3A_411 = tpu.sort %get3A_395, %get3A_395 masked %sort3A_408 : (vector<16xf32>, vector<16xf32>, vector<16xi1>) -> (vector<16xi1>, vector<16xf32>, vector<16xf32>)
      %rev3A_412 = arith.constant 15 : i32
      %rev3A_413 = vector.broadcast %rev3A_412 : i32 to vector<16xi32>
      %rev3A_414 = tpu.iota {dimensions = array<i32: 0>} : vector<16xi32>
      %rev3A_415 = arith.subi %rev3A_413, %rev3A_414 : vector<16xi32>
      %rev3A_416 = tpu.dynamic_gather %sort3A_410[%rev3A_415] in [0] : vector<16xf32>, vector<16xi32> -> vector<16xf32>
      %min3A_417 = arith.minimumf %sort3A_406, %rev3A_416 : vector<16xf32>
      %max3A_418 = arith.maximumf %sort3A_406, %rev3A_416 : vector<16xf32>
      %sort3A_419 = arith.constant dense<true> : vector<16xi1>
      %sort3A_420, %sort3A_421, %sort3A_422 = tpu.sort %min3A_417, %min3A_417 masked %sort3A_419 : (vector<16xf32>, vector<16xf32>, vector<16xi1>) -> (vector<16xi1>, vector<16xf32>, vector<16xf32>)
      %sort3A_423 = arith.constant dense<true> : vector<16xi1>
      %sort3A_424, %sort3A_425, %sort3A_426 = tpu.sort %max3A_418, %max3A_418 masked %sort3A_423 : (vector<16xf32>, vector<16xf32>, vector<16xi1>) -> (vector<16xi1>, vector<16xf32>, vector<16xf32>)
      %sort3A_427 = arith.constant dense<true> : vector<16xi1>
      %sort3A_428, %sort3A_429, %sort3A_430 = tpu.sort %get3A_399, %get3A_399 masked %sort3A_427 : (vector<16xf32>, vector<16xf32>, vector<16xi1>) -> (vector<16xi1>, vector<16xf32>, vector<16xf32>)
      %sort3A_431 = arith.constant dense<true> : vector<16xi1>
      %sort3A_432, %sort3A_433, %sort3A_434 = tpu.sort %get3A_403, %get3A_403 masked %sort3A_431 : (vector<16xf32>, vector<16xf32>, vector<16xi1>) -> (vector<16xi1>, vector<16xf32>, vector<16xf32>)
      %rev3A_435 = arith.constant 15 : i32
      %rev3A_436 = vector.broadcast %rev3A_435 : i32 to vector<16xi32>
      %rev3A_437 = tpu.iota {dimensions = array<i32: 0>} : vector<16xi32>
      %rev3A_438 = arith.subi %rev3A_436, %rev3A_437 : vector<16xi32>
      %rev3A_439 = tpu.dynamic_gather %sort3A_433[%rev3A_438] in [0] : vector<16xf32>, vector<16xi32> -> vector<16xf32>
      %min3A_440 = arith.minimumf %sort3A_429, %rev3A_439 : vector<16xf32>
      %max3A_441 = arith.maximumf %sort3A_429, %rev3A_439 : vector<16xf32>
      %sort3A_442 = arith.constant dense<true> : vector<16xi1>
      %sort3A_443, %sort3A_444, %sort3A_445 = tpu.sort %min3A_440, %min3A_440 masked %sort3A_442 : (vector<16xf32>, vector<16xf32>, vector<16xi1>) -> (vector<16xi1>, vector<16xf32>, vector<16xf32>)
      %sort3A_446 = arith.constant dense<true> : vector<16xi1>
      %sort3A_447, %sort3A_448, %sort3A_449 = tpu.sort %max3A_441, %max3A_441 masked %sort3A_446 : (vector<16xf32>, vector<16xf32>, vector<16xi1>) -> (vector<16xi1>, vector<16xf32>, vector<16xf32>)
      %rev3A_450 = arith.constant 15 : i32
      %rev3A_451 = vector.broadcast %rev3A_450 : i32 to vector<16xi32>
      %rev3A_452 = tpu.iota {dimensions = array<i32: 0>} : vector<16xi32>
      %rev3A_453 = arith.subi %rev3A_451, %rev3A_452 : vector<16xi32>
      %rev3A_454 = tpu.dynamic_gather %sort3A_448[%rev3A_453] in [0] : vector<16xf32>, vector<16xi32> -> vector<16xf32>
      %rev3A_455 = arith.constant 15 : i32
      %rev3A_456 = vector.broadcast %rev3A_455 : i32 to vector<16xi32>
      %rev3A_457 = tpu.iota {dimensions = array<i32: 0>} : vector<16xi32>
      %rev3A_458 = arith.subi %rev3A_456, %rev3A_457 : vector<16xi32>
      %rev3A_459 = tpu.dynamic_gather %sort3A_444[%rev3A_458] in [0] : vector<16xf32>, vector<16xi32> -> vector<16xf32>
      %min3A_460 = arith.minimumf %sort3A_421, %rev3A_454 : vector<16xf32>
      %min3A_461 = arith.minimumf %sort3A_425, %rev3A_459 : vector<16xf32>
      %max3A_462 = arith.maximumf %sort3A_421, %rev3A_454 : vector<16xf32>
      %max3A_463 = arith.maximumf %sort3A_425, %rev3A_459 : vector<16xf32>
      %min3A_464 = arith.minimumf %min3A_460, %min3A_461 : vector<16xf32>
      %max3A_465 = arith.maximumf %min3A_460, %min3A_461 : vector<16xf32>
      %min3A_466 = arith.minimumf %max3A_462, %max3A_463 : vector<16xf32>
      %max3A_467 = arith.maximumf %max3A_462, %max3A_463 : vector<16xf32>
      %sort3A_468 = arith.constant dense<true> : vector<16xi1>
      %sort3A_469, %sort3A_470, %sort3A_471 = tpu.sort %min3A_464, %min3A_464 masked %sort3A_468 : (vector<16xf32>, vector<16xf32>, vector<16xi1>) -> (vector<16xi1>, vector<16xf32>, vector<16xf32>)
      %sort3A_472 = arith.constant dense<true> : vector<16xi1>
      %sort3A_473, %sort3A_474, %sort3A_475 = tpu.sort %max3A_465, %max3A_465 masked %sort3A_472 : (vector<16xf32>, vector<16xf32>, vector<16xi1>) -> (vector<16xi1>, vector<16xf32>, vector<16xf32>)
      %sort3A_476 = arith.constant dense<true> : vector<16xi1>
      %sort3A_477, %sort3A_478, %sort3A_479 = tpu.sort %min3A_466, %min3A_466 masked %sort3A_476 : (vector<16xf32>, vector<16xf32>, vector<16xi1>) -> (vector<16xi1>, vector<16xf32>, vector<16xf32>)
      %sort3A_480 = arith.constant dense<true> : vector<16xi1>
      %sort3A_481, %sort3A_482, %sort3A_483 = tpu.sort %max3A_467, %max3A_467 masked %sort3A_480 : (vector<16xf32>, vector<16xf32>, vector<16xi1>) -> (vector<16xi1>, vector<16xf32>, vector<16xf32>)
      %rev3A_484 = arith.constant 15 : i32
      %rev3A_485 = vector.broadcast %rev3A_484 : i32 to vector<16xi32>
      %rev3A_486 = tpu.iota {dimensions = array<i32: 0>} : vector<16xi32>
      %rev3A_487 = arith.subi %rev3A_485, %rev3A_486 : vector<16xi32>
      %rev3A_488 = tpu.dynamic_gather %sort3A_286[%rev3A_487] in [0] : vector<16xf32>, vector<16xi32> -> vector<16xf32>
      %rev3A_489 = arith.constant 15 : i32
      %rev3A_490 = vector.broadcast %rev3A_489 : i32 to vector<16xi32>
      %rev3A_491 = tpu.iota {dimensions = array<i32: 0>} : vector<16xi32>
      %rev3A_492 = arith.subi %rev3A_490, %rev3A_491 : vector<16xi32>
      %rev3A_493 = tpu.dynamic_gather %sort3A_282[%rev3A_492] in [0] : vector<16xf32>, vector<16xi32> -> vector<16xf32>
      %rev3A_494 = arith.constant 15 : i32
      %rev3A_495 = vector.broadcast %rev3A_494 : i32 to vector<16xi32>
      %rev3A_496 = tpu.iota {dimensions = array<i32: 0>} : vector<16xi32>
      %rev3A_497 = arith.subi %rev3A_495, %rev3A_496 : vector<16xi32>
      %rev3A_498 = tpu.dynamic_gather %sort3A_278[%rev3A_497] in [0] : vector<16xf32>, vector<16xi32> -> vector<16xf32>
      %rev3A_499 = arith.constant 15 : i32
      %rev3A_500 = vector.broadcast %rev3A_499 : i32 to vector<16xi32>
      %rev3A_501 = tpu.iota {dimensions = array<i32: 0>} : vector<16xi32>
      %rev3A_502 = arith.subi %rev3A_500, %rev3A_501 : vector<16xi32>
      %rev3A_503 = tpu.dynamic_gather %sort3A_274[%rev3A_502] in [0] : vector<16xf32>, vector<16xi32> -> vector<16xf32>
      %max3A_504 = arith.maximumf %sort3A_176, %rev3A_488 : vector<16xf32>
      %max3A_505 = arith.maximumf %sort3A_180, %rev3A_493 : vector<16xf32>
      %max3A_506 = arith.maximumf %sort3A_184, %rev3A_498 : vector<16xf32>
      %max3A_507 = arith.maximumf %sort3A_188, %rev3A_503 : vector<16xf32>
      %min3A_508 = arith.minimumf %max3A_504, %max3A_506 : vector<16xf32>
      %min3A_509 = arith.minimumf %max3A_505, %max3A_507 : vector<16xf32>
      %max3A_510 = arith.maximumf %max3A_504, %max3A_506 : vector<16xf32>
      %max3A_511 = arith.maximumf %max3A_505, %max3A_507 : vector<16xf32>
      %min3A_512 = arith.minimumf %min3A_508, %min3A_509 : vector<16xf32>
      %max3A_513 = arith.maximumf %min3A_508, %min3A_509 : vector<16xf32>
      %min3A_514 = arith.minimumf %max3A_510, %max3A_511 : vector<16xf32>
      %max3A_515 = arith.maximumf %max3A_510, %max3A_511 : vector<16xf32>
      %sort3A_516 = arith.constant dense<true> : vector<16xi1>
      %sort3A_517, %sort3A_518, %sort3A_519 = tpu.sort %min3A_512, %min3A_512 masked %sort3A_516 : (vector<16xf32>, vector<16xf32>, vector<16xi1>) -> (vector<16xi1>, vector<16xf32>, vector<16xf32>)
      %sort3A_520 = arith.constant dense<true> : vector<16xi1>
      %sort3A_521, %sort3A_522, %sort3A_523 = tpu.sort %max3A_513, %max3A_513 masked %sort3A_520 : (vector<16xf32>, vector<16xf32>, vector<16xi1>) -> (vector<16xi1>, vector<16xf32>, vector<16xf32>)
      %sort3A_524 = arith.constant dense<true> : vector<16xi1>
      %sort3A_525, %sort3A_526, %sort3A_527 = tpu.sort %min3A_514, %min3A_514 masked %sort3A_524 : (vector<16xf32>, vector<16xf32>, vector<16xi1>) -> (vector<16xi1>, vector<16xf32>, vector<16xf32>)
      %sort3A_528 = arith.constant dense<true> : vector<16xi1>
      %sort3A_529, %sort3A_530, %sort3A_531 = tpu.sort %max3A_515, %max3A_515 masked %sort3A_528 : (vector<16xf32>, vector<16xf32>, vector<16xi1>) -> (vector<16xi1>, vector<16xf32>, vector<16xf32>)
      %rev3A_532 = arith.constant 15 : i32
      %rev3A_533 = vector.broadcast %rev3A_532 : i32 to vector<16xi32>
      %rev3A_534 = tpu.iota {dimensions = array<i32: 0>} : vector<16xi32>
      %rev3A_535 = arith.subi %rev3A_533, %rev3A_534 : vector<16xi32>
      %rev3A_536 = tpu.dynamic_gather %sort3A_482[%rev3A_535] in [0] : vector<16xf32>, vector<16xi32> -> vector<16xf32>
      %rev3A_537 = arith.constant 15 : i32
      %rev3A_538 = vector.broadcast %rev3A_537 : i32 to vector<16xi32>
      %rev3A_539 = tpu.iota {dimensions = array<i32: 0>} : vector<16xi32>
      %rev3A_540 = arith.subi %rev3A_538, %rev3A_539 : vector<16xi32>
      %rev3A_541 = tpu.dynamic_gather %sort3A_478[%rev3A_540] in [0] : vector<16xf32>, vector<16xi32> -> vector<16xf32>
      %rev3A_542 = arith.constant 15 : i32
      %rev3A_543 = vector.broadcast %rev3A_542 : i32 to vector<16xi32>
      %rev3A_544 = tpu.iota {dimensions = array<i32: 0>} : vector<16xi32>
      %rev3A_545 = arith.subi %rev3A_543, %rev3A_544 : vector<16xi32>
      %rev3A_546 = tpu.dynamic_gather %sort3A_474[%rev3A_545] in [0] : vector<16xf32>, vector<16xi32> -> vector<16xf32>
      %rev3A_547 = arith.constant 15 : i32
      %rev3A_548 = vector.broadcast %rev3A_547 : i32 to vector<16xi32>
      %rev3A_549 = tpu.iota {dimensions = array<i32: 0>} : vector<16xi32>
      %rev3A_550 = arith.subi %rev3A_548, %rev3A_549 : vector<16xi32>
      %rev3A_551 = tpu.dynamic_gather %sort3A_470[%rev3A_550] in [0] : vector<16xf32>, vector<16xi32> -> vector<16xf32>
      %max3A_552 = arith.maximumf %sort3A_372, %rev3A_536 : vector<16xf32>
      %max3A_553 = arith.maximumf %sort3A_376, %rev3A_541 : vector<16xf32>
      %max3A_554 = arith.maximumf %sort3A_380, %rev3A_546 : vector<16xf32>
      %max3A_555 = arith.maximumf %sort3A_384, %rev3A_551 : vector<16xf32>
      %min3A_556 = arith.minimumf %max3A_552, %max3A_554 : vector<16xf32>
      %min3A_557 = arith.minimumf %max3A_553, %max3A_555 : vector<16xf32>
      %max3A_558 = arith.maximumf %max3A_552, %max3A_554 : vector<16xf32>
      %max3A_559 = arith.maximumf %max3A_553, %max3A_555 : vector<16xf32>
      %min3A_560 = arith.minimumf %min3A_556, %min3A_557 : vector<16xf32>
      %max3A_561 = arith.maximumf %min3A_556, %min3A_557 : vector<16xf32>
      %min3A_562 = arith.minimumf %max3A_558, %max3A_559 : vector<16xf32>
      %max3A_563 = arith.maximumf %max3A_558, %max3A_559 : vector<16xf32>
      %sort3A_564 = arith.constant dense<true> : vector<16xi1>
      %sort3A_565, %sort3A_566, %sort3A_567 = tpu.sort %min3A_560, %min3A_560 masked %sort3A_564 : (vector<16xf32>, vector<16xf32>, vector<16xi1>) -> (vector<16xi1>, vector<16xf32>, vector<16xf32>)
      %sort3A_568 = arith.constant dense<true> : vector<16xi1>
      %sort3A_569, %sort3A_570, %sort3A_571 = tpu.sort %max3A_561, %max3A_561 masked %sort3A_568 : (vector<16xf32>, vector<16xf32>, vector<16xi1>) -> (vector<16xi1>, vector<16xf32>, vector<16xf32>)
      %sort3A_572 = arith.constant dense<true> : vector<16xi1>
      %sort3A_573, %sort3A_574, %sort3A_575 = tpu.sort %min3A_562, %min3A_562 masked %sort3A_572 : (vector<16xf32>, vector<16xf32>, vector<16xi1>) -> (vector<16xi1>, vector<16xf32>, vector<16xf32>)
      %sort3A_576 = arith.constant dense<true> : vector<16xi1>
      %sort3A_577, %sort3A_578, %sort3A_579 = tpu.sort %max3A_563, %max3A_563 masked %sort3A_576 : (vector<16xf32>, vector<16xf32>, vector<16xi1>) -> (vector<16xi1>, vector<16xf32>, vector<16xf32>)
      %rev3A_580 = arith.constant 15 : i32
      %rev3A_581 = vector.broadcast %rev3A_580 : i32 to vector<16xi32>
      %rev3A_582 = tpu.iota {dimensions = array<i32: 0>} : vector<16xi32>
      %rev3A_583 = arith.subi %rev3A_581, %rev3A_582 : vector<16xi32>
      %rev3A_584 = tpu.dynamic_gather %sort3A_578[%rev3A_583] in [0] : vector<16xf32>, vector<16xi32> -> vector<16xf32>
      %rev3A_585 = arith.constant 15 : i32
      %rev3A_586 = vector.broadcast %rev3A_585 : i32 to vector<16xi32>
      %rev3A_587 = tpu.iota {dimensions = array<i32: 0>} : vector<16xi32>
      %rev3A_588 = arith.subi %rev3A_586, %rev3A_587 : vector<16xi32>
      %rev3A_589 = tpu.dynamic_gather %sort3A_574[%rev3A_588] in [0] : vector<16xf32>, vector<16xi32> -> vector<16xf32>
      %rev3A_590 = arith.constant 15 : i32
      %rev3A_591 = vector.broadcast %rev3A_590 : i32 to vector<16xi32>
      %rev3A_592 = tpu.iota {dimensions = array<i32: 0>} : vector<16xi32>
      %rev3A_593 = arith.subi %rev3A_591, %rev3A_592 : vector<16xi32>
      %rev3A_594 = tpu.dynamic_gather %sort3A_570[%rev3A_593] in [0] : vector<16xf32>, vector<16xi32> -> vector<16xf32>
      %rev3A_595 = arith.constant 15 : i32
      %rev3A_596 = vector.broadcast %rev3A_595 : i32 to vector<16xi32>
      %rev3A_597 = tpu.iota {dimensions = array<i32: 0>} : vector<16xi32>
      %rev3A_598 = arith.subi %rev3A_596, %rev3A_597 : vector<16xi32>
      %rev3A_599 = tpu.dynamic_gather %sort3A_566[%rev3A_598] in [0] : vector<16xf32>, vector<16xi32> -> vector<16xf32>
      %max3A_600 = arith.maximumf %sort3A_518, %rev3A_584 : vector<16xf32>
      %max3A_601 = arith.maximumf %sort3A_522, %rev3A_589 : vector<16xf32>
      %max3A_602 = arith.maximumf %sort3A_526, %rev3A_594 : vector<16xf32>
      %max3A_603 = arith.maximumf %sort3A_530, %rev3A_599 : vector<16xf32>
      %min3A_604 = arith.minimumf %max3A_600, %max3A_602 : vector<16xf32>
      %min3A_605 = arith.minimumf %max3A_601, %max3A_603 : vector<16xf32>
      %max3A_606 = arith.maximumf %max3A_600, %max3A_602 : vector<16xf32>
      %max3A_607 = arith.maximumf %max3A_601, %max3A_603 : vector<16xf32>
      %min3A_608 = arith.minimumf %min3A_604, %min3A_605 : vector<16xf32>
      %max3A_609 = arith.maximumf %min3A_604, %min3A_605 : vector<16xf32>
      %min3A_610 = arith.minimumf %max3A_606, %max3A_607 : vector<16xf32>
      %max3A_611 = arith.maximumf %max3A_606, %max3A_607 : vector<16xf32>
      %sort3A_612 = arith.constant dense<true> : vector<16xi1>
      %sort3A_613, %sort3A_614, %sort3A_615 = tpu.sort %min3A_608, %min3A_608 masked %sort3A_612 : (vector<16xf32>, vector<16xf32>, vector<16xi1>) -> (vector<16xi1>, vector<16xf32>, vector<16xf32>)
      %sort3A_616 = arith.constant dense<true> : vector<16xi1>
      %sort3A_617, %sort3A_618, %sort3A_619 = tpu.sort %max3A_609, %max3A_609 masked %sort3A_616 : (vector<16xf32>, vector<16xf32>, vector<16xi1>) -> (vector<16xi1>, vector<16xf32>, vector<16xf32>)
      %sort3A_620 = arith.constant dense<true> : vector<16xi1>
      %sort3A_621, %sort3A_622, %sort3A_623 = tpu.sort %min3A_610, %min3A_610 masked %sort3A_620 : (vector<16xf32>, vector<16xf32>, vector<16xi1>) -> (vector<16xi1>, vector<16xf32>, vector<16xf32>)
      %sort3A_624 = arith.constant dense<true> : vector<16xi1>
      %sort3A_625, %sort3A_626, %sort3A_627 = tpu.sort %max3A_611, %max3A_611 masked %sort3A_624 : (vector<16xf32>, vector<16xf32>, vector<16xi1>) -> (vector<16xi1>, vector<16xf32>, vector<16xf32>)
      %rev3A_628 = arith.constant 15 : i32
      %rev3A_629 = vector.broadcast %rev3A_628 : i32 to vector<16xi32>
      %rev3A_630 = tpu.iota {dimensions = array<i32: 0>} : vector<16xi32>
      %rev3A_631 = arith.subi %rev3A_629, %rev3A_630 : vector<16xi32>
      %rev3A_632 = tpu.dynamic_gather %sort3A_626[%rev3A_631] in [0] : vector<16xf32>, vector<16xi32> -> vector<16xf32>
      %rev3A_633 = arith.constant 15 : i32
      %rev3A_634 = vector.broadcast %rev3A_633 : i32 to vector<16xi32>
      %rev3A_635 = tpu.iota {dimensions = array<i32: 0>} : vector<16xi32>
      %rev3A_636 = arith.subi %rev3A_634, %rev3A_635 : vector<16xi32>
      %rev3A_637 = tpu.dynamic_gather %sort3A_622[%rev3A_636] in [0] : vector<16xf32>, vector<16xi32> -> vector<16xf32>
      %rev3A_638 = arith.constant 15 : i32
      %rev3A_639 = vector.broadcast %rev3A_638 : i32 to vector<16xi32>
      %rev3A_640 = tpu.iota {dimensions = array<i32: 0>} : vector<16xi32>
      %rev3A_641 = arith.subi %rev3A_639, %rev3A_640 : vector<16xi32>
      %rev3A_642 = tpu.dynamic_gather %sort3A_618[%rev3A_641] in [0] : vector<16xf32>, vector<16xi32> -> vector<16xf32>
      %rev3A_643 = arith.constant 15 : i32
      %rev3A_644 = vector.broadcast %rev3A_643 : i32 to vector<16xi32>
      %rev3A_645 = tpu.iota {dimensions = array<i32: 0>} : vector<16xi32>
      %rev3A_646 = arith.subi %rev3A_644, %rev3A_645 : vector<16xi32>
      %rev3A_647 = tpu.dynamic_gather %sort3A_614[%rev3A_646] in [0] : vector<16xf32>, vector<16xi32> -> vector<16xf32>
      %max3A_648 = arith.maximumf %scan3A_88, %rev3A_632 : vector<16xf32>
      %max3A_649 = arith.maximumf %scan3A_89, %rev3A_637 : vector<16xf32>
      %max3A_650 = arith.maximumf %scan3A_90, %rev3A_642 : vector<16xf32>
      %max3A_651 = arith.maximumf %scan3A_91, %rev3A_647 : vector<16xf32>
      %min3A_652 = arith.minimumf %max3A_648, %max3A_650 : vector<16xf32>
      %min3A_653 = arith.minimumf %max3A_649, %max3A_651 : vector<16xf32>
      %max3A_654 = arith.maximumf %max3A_648, %max3A_650 : vector<16xf32>
      %max3A_655 = arith.maximumf %max3A_649, %max3A_651 : vector<16xf32>
      %min3A_656 = arith.minimumf %min3A_652, %min3A_653 : vector<16xf32>
      %max3A_657 = arith.maximumf %min3A_652, %min3A_653 : vector<16xf32>
      %min3A_658 = arith.minimumf %max3A_654, %max3A_655 : vector<16xf32>
      %max3A_659 = arith.maximumf %max3A_654, %max3A_655 : vector<16xf32>
      %sort3A_660 = arith.constant dense<true> : vector<16xi1>
      %sort3A_661, %sort3A_662, %sort3A_663 = tpu.sort %min3A_656, %min3A_656 masked %sort3A_660 : (vector<16xf32>, vector<16xf32>, vector<16xi1>) -> (vector<16xi1>, vector<16xf32>, vector<16xf32>)
      %sort3A_664 = arith.constant dense<true> : vector<16xi1>
      %sort3A_665, %sort3A_666, %sort3A_667 = tpu.sort %max3A_657, %max3A_657 masked %sort3A_664 : (vector<16xf32>, vector<16xf32>, vector<16xi1>) -> (vector<16xi1>, vector<16xf32>, vector<16xf32>)
      %sort3A_668 = arith.constant dense<true> : vector<16xi1>
      %sort3A_669, %sort3A_670, %sort3A_671 = tpu.sort %min3A_658, %min3A_658 masked %sort3A_668 : (vector<16xf32>, vector<16xf32>, vector<16xi1>) -> (vector<16xi1>, vector<16xf32>, vector<16xf32>)
      %sort3A_672 = arith.constant dense<true> : vector<16xi1>
      %sort3A_673, %sort3A_674, %sort3A_675 = tpu.sort %max3A_659, %max3A_659 masked %sort3A_672 : (vector<16xf32>, vector<16xf32>, vector<16xi1>) -> (vector<16xi1>, vector<16xf32>, vector<16xf32>)
      %add3A_676 = arith.constant 0 : i32
      %add3A_677 = arith.addi %mul3A_97, %add3A_676 : i32
      %get3A_678 = arith.index_cast %add3A_677 : i32 to index
      %get3A_679 = tpu.vector_load %arg5[%get3A_678] {strides = array<i32>} : memref<8192xf32, #tpu.memory_space<vmem>>, vector<16xf32>,
      %add3A_680 = arith.constant 16 : i32
      %add3A_681 = arith.addi %mul3A_97, %add3A_680 : i32
      %get3A_682 = arith.index_cast %add3A_681 : i32 to index
      %get3A_683 = tpu.vector_load %arg5[%get3A_682] {strides = array<i32>} : memref<8192xf32, #tpu.memory_space<vmem>>, vector<16xf32>,
      %add3A_684 = arith.constant 32 : i32
      %add3A_685 = arith.addi %mul3A_97, %add3A_684 : i32
      %get3A_686 = arith.index_cast %add3A_685 : i32 to index
      %get3A_687 = tpu.vector_load %arg5[%get3A_686] {strides = array<i32>} : memref<8192xf32, #tpu.memory_space<vmem>>, vector<16xf32>,
      %add3A_688 = arith.constant 48 : i32
      %add3A_689 = arith.addi %mul3A_97, %add3A_688 : i32
      %get3A_690 = arith.index_cast %add3A_689 : i32 to index
      %get3A_691 = tpu.vector_load %arg5[%get3A_690] {strides = array<i32>} : memref<8192xf32, #tpu.memory_space<vmem>>, vector<16xf32>,
      %sort3A_692 = arith.constant dense<true> : vector<16xi1>
      %sort3A_693, %sort3A_694, %sort3A_695 = tpu.sort %get3A_679, %get3A_679 masked %sort3A_692 : (vector<16xf32>, vector<16xf32>, vector<16xi1>) -> (vector<16xi1>, vector<16xf32>, vector<16xf32>)
      %sort3A_696 = arith.constant dense<true> : vector<16xi1>
      %sort3A_697, %sort3A_698, %sort3A_699 = tpu.sort %get3A_683, %get3A_683 masked %sort3A_696 : (vector<16xf32>, vector<16xf32>, vector<16xi1>) -> (vector<16xi1>, vector<16xf32>, vector<16xf32>)
      %rev3A_700 = arith.constant 15 : i32
      %rev3A_701 = vector.broadcast %rev3A_700 : i32 to vector<16xi32>
      %rev3A_702 = tpu.iota {dimensions = array<i32: 0>} : vector<16xi32>
      %rev3A_703 = arith.subi %rev3A_701, %rev3A_702 : vector<16xi32>
      %rev3A_704 = tpu.dynamic_gather %sort3A_698[%rev3A_703] in [0] : vector<16xf32>, vector<16xi32> -> vector<16xf32>
      %min3A_705 = arith.minimumf %sort3A_694, %rev3A_704 : vector<16xf32>
      %max3A_706 = arith.maximumf %sort3A_694, %rev3A_704 : vector<16xf32>
      %sort3A_707 = arith.constant dense<true> : vector<16xi1>
      %sort3A_708, %sort3A_709, %sort3A_710 = tpu.sort %min3A_705, %min3A_705 masked %sort3A_707 : (vector<16xf32>, vector<16xf32>, vector<16xi1>) -> (vector<16xi1>, vector<16xf32>, vector<16xf32>)
      %sort3A_711 = arith.constant dense<true> : vector<16xi1>
      %sort3A_712, %sort3A_713, %sort3A_714 = tpu.sort %max3A_706, %max3A_706 masked %sort3A_711 : (vector<16xf32>, vector<16xf32>, vector<16xi1>) -> (vector<16xi1>, vector<16xf32>, vector<16xf32>)
      %sort3A_715 = arith.constant dense<true> : vector<16xi1>
      %sort3A_716, %sort3A_717, %sort3A_718 = tpu.sort %get3A_687, %get3A_687 masked %sort3A_715 : (vector<16xf32>, vector<16xf32>, vector<16xi1>) -> (vector<16xi1>, vector<16xf32>, vector<16xf32>)
      %sort3A_719 = arith.constant dense<true> : vector<16xi1>
      %sort3A_720, %sort3A_721, %sort3A_722 = tpu.sort %get3A_691, %get3A_691 masked %sort3A_719 : (vector<16xf32>, vector<16xf32>, vector<16xi1>) -> (vector<16xi1>, vector<16xf32>, vector<16xf32>)
      %rev3A_723 = arith.constant 15 : i32
      %rev3A_724 = vector.broadcast %rev3A_723 : i32 to vector<16xi32>
      %rev3A_725 = tpu.iota {dimensions = array<i32: 0>} : vector<16xi32>
      %rev3A_726 = arith.subi %rev3A_724, %rev3A_725 : vector<16xi32>
      %rev3A_727 = tpu.dynamic_gather %sort3A_721[%rev3A_726] in [0] : vector<16xf32>, vector<16xi32> -> vector<16xf32>
      %min3A_728 = arith.minimumf %sort3A_717, %rev3A_727 : vector<16xf32>
      %max3A_729 = arith.maximumf %sort3A_717, %rev3A_727 : vector<16xf32>
      %sort3A_730 = arith.constant dense<true> : vector<16xi1>
      %sort3A_731, %sort3A_732, %sort3A_733 = tpu.sort %min3A_728, %min3A_728 masked %sort3A_730 : (vector<16xf32>, vector<16xf32>, vector<16xi1>) -> (vector<16xi1>, vector<16xf32>, vector<16xf32>)
      %sort3A_734 = arith.constant dense<true> : vector<16xi1>
      %sort3A_735, %sort3A_736, %sort3A_737 = tpu.sort %max3A_729, %max3A_729 masked %sort3A_734 : (vector<16xf32>, vector<16xf32>, vector<16xi1>) -> (vector<16xi1>, vector<16xf32>, vector<16xf32>)
      %rev3A_738 = arith.constant 15 : i32
      %rev3A_739 = vector.broadcast %rev3A_738 : i32 to vector<16xi32>
      %rev3A_740 = tpu.iota {dimensions = array<i32: 0>} : vector<16xi32>
      %rev3A_741 = arith.subi %rev3A_739, %rev3A_740 : vector<16xi32>
      %rev3A_742 = tpu.dynamic_gather %sort3A_736[%rev3A_741] in [0] : vector<16xf32>, vector<16xi32> -> vector<16xf32>
      %rev3A_743 = arith.constant 15 : i32
      %rev3A_744 = vector.broadcast %rev3A_743 : i32 to vector<16xi32>
      %rev3A_745 = tpu.iota {dimensions = array<i32: 0>} : vector<16xi32>
      %rev3A_746 = arith.subi %rev3A_744, %rev3A_745 : vector<16xi32>
      %rev3A_747 = tpu.dynamic_gather %sort3A_732[%rev3A_746] in [0] : vector<16xf32>, vector<16xi32> -> vector<16xf32>
      %min3A_748 = arith.minimumf %sort3A_709, %rev3A_742 : vector<16xf32>
      %min3A_749 = arith.minimumf %sort3A_713, %rev3A_747 : vector<16xf32>
      %max3A_750 = arith.maximumf %sort3A_709, %rev3A_742 : vector<16xf32>
      %max3A_751 = arith.maximumf %sort3A_713, %rev3A_747 : vector<16xf32>
      %min3A_752 = arith.minimumf %min3A_748, %min3A_749 : vector<16xf32>
      %max3A_753 = arith.maximumf %min3A_748, %min3A_749 : vector<16xf32>
      %min3A_754 = arith.minimumf %max3A_750, %max3A_751 : vector<16xf32>
      %max3A_755 = arith.maximumf %max3A_750, %max3A_751 : vector<16xf32>
      %sort3A_756 = arith.constant dense<true> : vector<16xi1>
      %sort3A_757, %sort3A_758, %sort3A_759 = tpu.sort %min3A_752, %min3A_752 masked %sort3A_756 : (vector<16xf32>, vector<16xf32>, vector<16xi1>) -> (vector<16xi1>, vector<16xf32>, vector<16xf32>)
      %sort3A_760 = arith.constant dense<true> : vector<16xi1>
      %sort3A_761, %sort3A_762, %sort3A_763 = tpu.sort %max3A_753, %max3A_753 masked %sort3A_760 : (vector<16xf32>, vector<16xf32>, vector<16xi1>) -> (vector<16xi1>, vector<16xf32>, vector<16xf32>)
      %sort3A_764 = arith.constant dense<true> : vector<16xi1>
      %sort3A_765, %sort3A_766, %sort3A_767 = tpu.sort %min3A_754, %min3A_754 masked %sort3A_764 : (vector<16xf32>, vector<16xf32>, vector<16xi1>) -> (vector<16xi1>, vector<16xf32>, vector<16xf32>)
      %sort3A_768 = arith.constant dense<true> : vector<16xi1>
      %sort3A_769, %sort3A_770, %sort3A_771 = tpu.sort %max3A_755, %max3A_755 masked %sort3A_768 : (vector<16xf32>, vector<16xf32>, vector<16xi1>) -> (vector<16xi1>, vector<16xf32>, vector<16xf32>)
      %add3A_772 = arith.constant 64 : i32
      %add3A_773 = arith.addi %mul3A_97, %add3A_772 : i32
      %add3A_774 = arith.constant 0 : i32
      %add3A_775 = arith.addi %add3A_773, %add3A_774 : i32
      %get3A_776 = arith.index_cast %add3A_775 : i32 to index
      %get3A_777 = tpu.vector_load %arg5[%get3A_776] {strides = array<i32>} : memref<8192xf32, #tpu.memory_space<vmem>>, vector<16xf32>,
      %add3A_778 = arith.constant 16 : i32
      %add3A_779 = arith.addi %add3A_773, %add3A_778 : i32
      %get3A_780 = arith.index_cast %add3A_779 : i32 to index
      %get3A_781 = tpu.vector_load %arg5[%get3A_780] {strides = array<i32>} : memref<8192xf32, #tpu.memory_space<vmem>>, vector<16xf32>,
      %add3A_782 = arith.constant 32 : i32
      %add3A_783 = arith.addi %add3A_773, %add3A_782 : i32
      %get3A_784 = arith.index_cast %add3A_783 : i32 to index
      %get3A_785 = tpu.vector_load %arg5[%get3A_784] {strides = array<i32>} : memref<8192xf32, #tpu.memory_space<vmem>>, vector<16xf32>,
      %add3A_786 = arith.constant 48 : i32
      %add3A_787 = arith.addi %add3A_773, %add3A_786 : i32
      %get3A_788 = arith.index_cast %add3A_787 : i32 to index
      %get3A_789 = tpu.vector_load %arg5[%get3A_788] {strides = array<i32>} : memref<8192xf32, #tpu.memory_space<vmem>>, vector<16xf32>,
      %sort3A_790 = arith.constant dense<true> : vector<16xi1>
      %sort3A_791, %sort3A_792, %sort3A_793 = tpu.sort %get3A_777, %get3A_777 masked %sort3A_790 : (vector<16xf32>, vector<16xf32>, vector<16xi1>) -> (vector<16xi1>, vector<16xf32>, vector<16xf32>)
      %sort3A_794 = arith.constant dense<true> : vector<16xi1>
      %sort3A_795, %sort3A_796, %sort3A_797 = tpu.sort %get3A_781, %get3A_781 masked %sort3A_794 : (vector<16xf32>, vector<16xf32>, vector<16xi1>) -> (vector<16xi1>, vector<16xf32>, vector<16xf32>)
      %rev3A_798 = arith.constant 15 : i32
      %rev3A_799 = vector.broadcast %rev3A_798 : i32 to vector<16xi32>
      %rev3A_800 = tpu.iota {dimensions = array<i32: 0>} : vector<16xi32>
      %rev3A_801 = arith.subi %rev3A_799, %rev3A_800 : vector<16xi32>
      %rev3A_802 = tpu.dynamic_gather %sort3A_796[%rev3A_801] in [0] : vector<16xf32>, vector<16xi32> -> vector<16xf32>
      %min3A_803 = arith.minimumf %sort3A_792, %rev3A_802 : vector<16xf32>
      %max3A_804 = arith.maximumf %sort3A_792, %rev3A_802 : vector<16xf32>
      %sort3A_805 = arith.constant dense<true> : vector<16xi1>
      %sort3A_806, %sort3A_807, %sort3A_808 = tpu.sort %min3A_803, %min3A_803 masked %sort3A_805 : (vector<16xf32>, vector<16xf32>, vector<16xi1>) -> (vector<16xi1>, vector<16xf32>, vector<16xf32>)
      %sort3A_809 = arith.constant dense<true> : vector<16xi1>
      %sort3A_810, %sort3A_811, %sort3A_812 = tpu.sort %max3A_804, %max3A_804 masked %sort3A_809 : (vector<16xf32>, vector<16xf32>, vector<16xi1>) -> (vector<16xi1>, vector<16xf32>, vector<16xf32>)
      %sort3A_813 = arith.constant dense<true> : vector<16xi1>
      %sort3A_814, %sort3A_815, %sort3A_816 = tpu.sort %get3A_785, %get3A_785 masked %sort3A_813 : (vector<16xf32>, vector<16xf32>, vector<16xi1>) -> (vector<16xi1>, vector<16xf32>, vector<16xf32>)
      %sort3A_817 = arith.constant dense<true> : vector<16xi1>
      %sort3A_818, %sort3A_819, %sort3A_820 = tpu.sort %get3A_789, %get3A_789 masked %sort3A_817 : (vector<16xf32>, vector<16xf32>, vector<16xi1>) -> (vector<16xi1>, vector<16xf32>, vector<16xf32>)
      %rev3A_821 = arith.constant 15 : i32
      %rev3A_822 = vector.broadcast %rev3A_821 : i32 to vector<16xi32>
      %rev3A_823 = tpu.iota {dimensions = array<i32: 0>} : vector<16xi32>
      %rev3A_824 = arith.subi %rev3A_822, %rev3A_823 : vector<16xi32>
      %rev3A_825 = tpu.dynamic_gather %sort3A_819[%rev3A_824] in [0] : vector<16xf32>, vector<16xi32> -> vector<16xf32>
      %min3A_826 = arith.minimumf %sort3A_815, %rev3A_825 : vector<16xf32>
      %max3A_827 = arith.maximumf %sort3A_815, %rev3A_825 : vector<16xf32>
      %sort3A_828 = arith.constant dense<true> : vector<16xi1>
      %sort3A_829, %sort3A_830, %sort3A_831 = tpu.sort %min3A_826, %min3A_826 masked %sort3A_828 : (vector<16xf32>, vector<16xf32>, vector<16xi1>) -> (vector<16xi1>, vector<16xf32>, vector<16xf32>)
      %sort3A_832 = arith.constant dense<true> : vector<16xi1>
      %sort3A_833, %sort3A_834, %sort3A_835 = tpu.sort %max3A_827, %max3A_827 masked %sort3A_832 : (vector<16xf32>, vector<16xf32>, vector<16xi1>) -> (vector<16xi1>, vector<16xf32>, vector<16xf32>)
      %rev3A_836 = arith.constant 15 : i32
      %rev3A_837 = vector.broadcast %rev3A_836 : i32 to vector<16xi32>
      %rev3A_838 = tpu.iota {dimensions = array<i32: 0>} : vector<16xi32>
      %rev3A_839 = arith.subi %rev3A_837, %rev3A_838 : vector<16xi32>
      %rev3A_840 = tpu.dynamic_gather %sort3A_834[%rev3A_839] in [0] : vector<16xf32>, vector<16xi32> -> vector<16xf32>
      %rev3A_841 = arith.constant 15 : i32
      %rev3A_842 = vector.broadcast %rev3A_841 : i32 to vector<16xi32>
      %rev3A_843 = tpu.iota {dimensions = array<i32: 0>} : vector<16xi32>
      %rev3A_844 = arith.subi %rev3A_842, %rev3A_843 : vector<16xi32>
      %rev3A_845 = tpu.dynamic_gather %sort3A_830[%rev3A_844] in [0] : vector<16xf32>, vector<16xi32> -> vector<16xf32>
      %min3A_846 = arith.minimumf %sort3A_807, %rev3A_840 : vector<16xf32>
      %min3A_847 = arith.minimumf %sort3A_811, %rev3A_845 : vector<16xf32>
      %max3A_848 = arith.maximumf %sort3A_807, %rev3A_840 : vector<16xf32>
      %max3A_849 = arith.maximumf %sort3A_811, %rev3A_845 : vector<16xf32>
      %min3A_850 = arith.minimumf %min3A_846, %min3A_847 : vector<16xf32>
      %max3A_851 = arith.maximumf %min3A_846, %min3A_847 : vector<16xf32>
      %min3A_852 = arith.minimumf %max3A_848, %max3A_849 : vector<16xf32>
      %max3A_853 = arith.maximumf %max3A_848, %max3A_849 : vector<16xf32>
      %sort3A_854 = arith.constant dense<true> : vector<16xi1>
      %sort3A_855, %sort3A_856, %sort3A_857 = tpu.sort %min3A_850, %min3A_850 masked %sort3A_854 : (vector<16xf32>, vector<16xf32>, vector<16xi1>) -> (vector<16xi1>, vector<16xf32>, vector<16xf32>)
      %sort3A_858 = arith.constant dense<true> : vector<16xi1>
      %sort3A_859, %sort3A_860, %sort3A_861 = tpu.sort %max3A_851, %max3A_851 masked %sort3A_858 : (vector<16xf32>, vector<16xf32>, vector<16xi1>) -> (vector<16xi1>, vector<16xf32>, vector<16xf32>)
      %sort3A_862 = arith.constant dense<true> : vector<16xi1>
      %sort3A_863, %sort3A_864, %sort3A_865 = tpu.sort %min3A_852, %min3A_852 masked %sort3A_862 : (vector<16xf32>, vector<16xf32>, vector<16xi1>) -> (vector<16xi1>, vector<16xf32>, vector<16xf32>)
      %sort3A_866 = arith.constant dense<true> : vector<16xi1>
      %sort3A_867, %sort3A_868, %sort3A_869 = tpu.sort %max3A_853, %max3A_853 masked %sort3A_866 : (vector<16xf32>, vector<16xf32>, vector<16xi1>) -> (vector<16xi1>, vector<16xf32>, vector<16xf32>)
      %add3A_870 = arith.constant 128 : i32
      %add3A_871 = arith.addi %mul3A_97, %add3A_870 : i32
      %add3A_872 = arith.constant 0 : i32
      %add3A_873 = arith.addi %add3A_871, %add3A_872 : i32
      %get3A_874 = arith.index_cast %add3A_873 : i32 to index
      %get3A_875 = tpu.vector_load %arg5[%get3A_874] {strides = array<i32>} : memref<8192xf32, #tpu.memory_space<vmem>>, vector<16xf32>,
      %add3A_876 = arith.constant 16 : i32
      %add3A_877 = arith.addi %add3A_871, %add3A_876 : i32
      %get3A_878 = arith.index_cast %add3A_877 : i32 to index
      %get3A_879 = tpu.vector_load %arg5[%get3A_878] {strides = array<i32>} : memref<8192xf32, #tpu.memory_space<vmem>>, vector<16xf32>,
      %add3A_880 = arith.constant 32 : i32
      %add3A_881 = arith.addi %add3A_871, %add3A_880 : i32
      %get3A_882 = arith.index_cast %add3A_881 : i32 to index
      %get3A_883 = tpu.vector_load %arg5[%get3A_882] {strides = array<i32>} : memref<8192xf32, #tpu.memory_space<vmem>>, vector<16xf32>,
      %add3A_884 = arith.constant 48 : i32
      %add3A_885 = arith.addi %add3A_871, %add3A_884 : i32
      %get3A_886 = arith.index_cast %add3A_885 : i32 to index
      %get3A_887 = tpu.vector_load %arg5[%get3A_886] {strides = array<i32>} : memref<8192xf32, #tpu.memory_space<vmem>>, vector<16xf32>,
      %sort3A_888 = arith.constant dense<true> : vector<16xi1>
      %sort3A_889, %sort3A_890, %sort3A_891 = tpu.sort %get3A_875, %get3A_875 masked %sort3A_888 : (vector<16xf32>, vector<16xf32>, vector<16xi1>) -> (vector<16xi1>, vector<16xf32>, vector<16xf32>)
      %sort3A_892 = arith.constant dense<true> : vector<16xi1>
      %sort3A_893, %sort3A_894, %sort3A_895 = tpu.sort %get3A_879, %get3A_879 masked %sort3A_892 : (vector<16xf32>, vector<16xf32>, vector<16xi1>) -> (vector<16xi1>, vector<16xf32>, vector<16xf32>)
      %rev3A_896 = arith.constant 15 : i32
      %rev3A_897 = vector.broadcast %rev3A_896 : i32 to vector<16xi32>
      %rev3A_898 = tpu.iota {dimensions = array<i32: 0>} : vector<16xi32>
      %rev3A_899 = arith.subi %rev3A_897, %rev3A_898 : vector<16xi32>
      %rev3A_900 = tpu.dynamic_gather %sort3A_894[%rev3A_899] in [0] : vector<16xf32>, vector<16xi32> -> vector<16xf32>
      %min3A_901 = arith.minimumf %sort3A_890, %rev3A_900 : vector<16xf32>
      %max3A_902 = arith.maximumf %sort3A_890, %rev3A_900 : vector<16xf32>
      %sort3A_903 = arith.constant dense<true> : vector<16xi1>
      %sort3A_904, %sort3A_905, %sort3A_906 = tpu.sort %min3A_901, %min3A_901 masked %sort3A_903 : (vector<16xf32>, vector<16xf32>, vector<16xi1>) -> (vector<16xi1>, vector<16xf32>, vector<16xf32>)
      %sort3A_907 = arith.constant dense<true> : vector<16xi1>
      %sort3A_908, %sort3A_909, %sort3A_910 = tpu.sort %max3A_902, %max3A_902 masked %sort3A_907 : (vector<16xf32>, vector<16xf32>, vector<16xi1>) -> (vector<16xi1>, vector<16xf32>, vector<16xf32>)
      %sort3A_911 = arith.constant dense<true> : vector<16xi1>
      %sort3A_912, %sort3A_913, %sort3A_914 = tpu.sort %get3A_883, %get3A_883 masked %sort3A_911 : (vector<16xf32>, vector<16xf32>, vector<16xi1>) -> (vector<16xi1>, vector<16xf32>, vector<16xf32>)
      %sort3A_915 = arith.constant dense<true> : vector<16xi1>
      %sort3A_916, %sort3A_917, %sort3A_918 = tpu.sort %get3A_887, %get3A_887 masked %sort3A_915 : (vector<16xf32>, vector<16xf32>, vector<16xi1>) -> (vector<16xi1>, vector<16xf32>, vector<16xf32>)
      %rev3A_919 = arith.constant 15 : i32
      %rev3A_920 = vector.broadcast %rev3A_919 : i32 to vector<16xi32>
      %rev3A_921 = tpu.iota {dimensions = array<i32: 0>} : vector<16xi32>
      %rev3A_922 = arith.subi %rev3A_920, %rev3A_921 : vector<16xi32>
      %rev3A_923 = tpu.dynamic_gather %sort3A_917[%rev3A_922] in [0] : vector<16xf32>, vector<16xi32> -> vector<16xf32>
      %min3A_924 = arith.minimumf %sort3A_913, %rev3A_923 : vector<16xf32>
      %max3A_925 = arith.maximumf %sort3A_913, %rev3A_923 : vector<16xf32>
      %sort3A_926 = arith.constant dense<true> : vector<16xi1>
      %sort3A_927, %sort3A_928, %sort3A_929 = tpu.sort %min3A_924, %min3A_924 masked %sort3A_926 : (vector<16xf32>, vector<16xf32>, vector<16xi1>) -> (vector<16xi1>, vector<16xf32>, vector<16xf32>)
      %sort3A_930 = arith.constant dense<true> : vector<16xi1>
      %sort3A_931, %sort3A_932, %sort3A_933 = tpu.sort %max3A_925, %max3A_925 masked %sort3A_930 : (vector<16xf32>, vector<16xf32>, vector<16xi1>) -> (vector<16xi1>, vector<16xf32>, vector<16xf32>)
      %rev3A_934 = arith.constant 15 : i32
      %rev3A_935 = vector.broadcast %rev3A_934 : i32 to vector<16xi32>
      %rev3A_936 = tpu.iota {dimensions = array<i32: 0>} : vector<16xi32>
      %rev3A_937 = arith.subi %rev3A_935, %rev3A_936 : vector<16xi32>
      %rev3A_938 = tpu.dynamic_gather %sort3A_932[%rev3A_937] in [0] : vector<16xf32>, vector<16xi32> -> vector<16xf32>
      %rev3A_939 = arith.constant 15 : i32
      %rev3A_940 = vector.broadcast %rev3A_939 : i32 to vector<16xi32>
      %rev3A_941 = tpu.iota {dimensions = array<i32: 0>} : vector<16xi32>
      %rev3A_942 = arith.subi %rev3A_940, %rev3A_941 : vector<16xi32>
      %rev3A_943 = tpu.dynamic_gather %sort3A_928[%rev3A_942] in [0] : vector<16xf32>, vector<16xi32> -> vector<16xf32>
      %min3A_944 = arith.minimumf %sort3A_905, %rev3A_938 : vector<16xf32>
      %min3A_945 = arith.minimumf %sort3A_909, %rev3A_943 : vector<16xf32>
      %max3A_946 = arith.maximumf %sort3A_905, %rev3A_938 : vector<16xf32>
      %max3A_947 = arith.maximumf %sort3A_909, %rev3A_943 : vector<16xf32>
      %min3A_948 = arith.minimumf %min3A_944, %min3A_945 : vector<16xf32>
      %max3A_949 = arith.maximumf %min3A_944, %min3A_945 : vector<16xf32>
      %min3A_950 = arith.minimumf %max3A_946, %max3A_947 : vector<16xf32>
      %max3A_951 = arith.maximumf %max3A_946, %max3A_947 : vector<16xf32>
      %sort3A_952 = arith.constant dense<true> : vector<16xi1>
      %sort3A_953, %sort3A_954, %sort3A_955 = tpu.sort %min3A_948, %min3A_948 masked %sort3A_952 : (vector<16xf32>, vector<16xf32>, vector<16xi1>) -> (vector<16xi1>, vector<16xf32>, vector<16xf32>)
      %sort3A_956 = arith.constant dense<true> : vector<16xi1>
      %sort3A_957, %sort3A_958, %sort3A_959 = tpu.sort %max3A_949, %max3A_949 masked %sort3A_956 : (vector<16xf32>, vector<16xf32>, vector<16xi1>) -> (vector<16xi1>, vector<16xf32>, vector<16xf32>)
      %sort3A_960 = arith.constant dense<true> : vector<16xi1>
      %sort3A_961, %sort3A_962, %sort3A_963 = tpu.sort %min3A_950, %min3A_950 masked %sort3A_960 : (vector<16xf32>, vector<16xf32>, vector<16xi1>) -> (vector<16xi1>, vector<16xf32>, vector<16xf32>)
      %sort3A_964 = arith.constant dense<true> : vector<16xi1>
      %sort3A_965, %sort3A_966, %sort3A_967 = tpu.sort %max3A_951, %max3A_951 masked %sort3A_964 : (vector<16xf32>, vector<16xf32>, vector<16xi1>) -> (vector<16xi1>, vector<16xf32>, vector<16xf32>)
      %add3A_968 = arith.constant 192 : i32
      %add3A_969 = arith.addi %mul3A_97, %add3A_968 : i32
      %add3A_970 = arith.constant 0 : i32
      %add3A_971 = arith.addi %add3A_969, %add3A_970 : i32
      %get3A_972 = arith.index_cast %add3A_971 : i32 to index
      %get3A_973 = tpu.vector_load %arg5[%get3A_972] {strides = array<i32>} : memref<8192xf32, #tpu.memory_space<vmem>>, vector<16xf32>,
      %add3A_974 = arith.constant 16 : i32
      %add3A_975 = arith.addi %add3A_969, %add3A_974 : i32
      %get3A_976 = arith.index_cast %add3A_975 : i32 to index
      %get3A_977 = tpu.vector_load %arg5[%get3A_976] {strides = array<i32>} : memref<8192xf32, #tpu.memory_space<vmem>>, vector<16xf32>,
      %add3A_978 = arith.constant 32 : i32
      %add3A_979 = arith.addi %add3A_969, %add3A_978 : i32
      %get3A_980 = arith.index_cast %add3A_979 : i32 to index
      %get3A_981 = tpu.vector_load %arg5[%get3A_980] {strides = array<i32>} : memref<8192xf32, #tpu.memory_space<vmem>>, vector<16xf32>,
      %add3A_982 = arith.constant 48 : i32
      %add3A_983 = arith.addi %add3A_969, %add3A_982 : i32
      %get3A_984 = arith.index_cast %add3A_983 : i32 to index
      %get3A_985 = tpu.vector_load %arg5[%get3A_984] {strides = array<i32>} : memref<8192xf32, #tpu.memory_space<vmem>>, vector<16xf32>,
      %sort3A_986 = arith.constant dense<true> : vector<16xi1>
      %sort3A_987, %sort3A_988, %sort3A_989 = tpu.sort %get3A_973, %get3A_973 masked %sort3A_986 : (vector<16xf32>, vector<16xf32>, vector<16xi1>) -> (vector<16xi1>, vector<16xf32>, vector<16xf32>)
      %sort3A_990 = arith.constant dense<true> : vector<16xi1>
      %sort3A_991, %sort3A_992, %sort3A_993 = tpu.sort %get3A_977, %get3A_977 masked %sort3A_990 : (vector<16xf32>, vector<16xf32>, vector<16xi1>) -> (vector<16xi1>, vector<16xf32>, vector<16xf32>)
      %rev3A_994 = arith.constant 15 : i32
      %rev3A_995 = vector.broadcast %rev3A_994 : i32 to vector<16xi32>
      %rev3A_996 = tpu.iota {dimensions = array<i32: 0>} : vector<16xi32>
      %rev3A_997 = arith.subi %rev3A_995, %rev3A_996 : vector<16xi32>
      %rev3A_998 = tpu.dynamic_gather %sort3A_992[%rev3A_997] in [0] : vector<16xf32>, vector<16xi32> -> vector<16xf32>
      %min3A_999 = arith.minimumf %sort3A_988, %rev3A_998 : vector<16xf32>
      %max3A_1000 = arith.maximumf %sort3A_988, %rev3A_998 : vector<16xf32>
      %sort3A_1001 = arith.constant dense<true> : vector<16xi1>
      %sort3A_1002, %sort3A_1003, %sort3A_1004 = tpu.sort %min3A_999, %min3A_999 masked %sort3A_1001 : (vector<16xf32>, vector<16xf32>, vector<16xi1>) -> (vector<16xi1>, vector<16xf32>, vector<16xf32>)
      %sort3A_1005 = arith.constant dense<true> : vector<16xi1>
      %sort3A_1006, %sort3A_1007, %sort3A_1008 = tpu.sort %max3A_1000, %max3A_1000 masked %sort3A_1005 : (vector<16xf32>, vector<16xf32>, vector<16xi1>) -> (vector<16xi1>, vector<16xf32>, vector<16xf32>)
      %sort3A_1009 = arith.constant dense<true> : vector<16xi1>
      %sort3A_1010, %sort3A_1011, %sort3A_1012 = tpu.sort %get3A_981, %get3A_981 masked %sort3A_1009 : (vector<16xf32>, vector<16xf32>, vector<16xi1>) -> (vector<16xi1>, vector<16xf32>, vector<16xf32>)
      %sort3A_1013 = arith.constant dense<true> : vector<16xi1>
      %sort3A_1014, %sort3A_1015, %sort3A_1016 = tpu.sort %get3A_985, %get3A_985 masked %sort3A_1013 : (vector<16xf32>, vector<16xf32>, vector<16xi1>) -> (vector<16xi1>, vector<16xf32>, vector<16xf32>)
      %rev3A_1017 = arith.constant 15 : i32
      %rev3A_1018 = vector.broadcast %rev3A_1017 : i32 to vector<16xi32>
      %rev3A_1019 = tpu.iota {dimensions = array<i32: 0>} : vector<16xi32>
      %rev3A_1020 = arith.subi %rev3A_1018, %rev3A_1019 : vector<16xi32>
      %rev3A_1021 = tpu.dynamic_gather %sort3A_1015[%rev3A_1020] in [0] : vector<16xf32>, vector<16xi32> -> vector<16xf32>
      %min3A_1022 = arith.minimumf %sort3A_1011, %rev3A_1021 : vector<16xf32>
      %max3A_1023 = arith.maximumf %sort3A_1011, %rev3A_1021 : vector<16xf32>
      %sort3A_1024 = arith.constant dense<true> : vector<16xi1>
      %sort3A_1025, %sort3A_1026, %sort3A_1027 = tpu.sort %min3A_1022, %min3A_1022 masked %sort3A_1024 : (vector<16xf32>, vector<16xf32>, vector<16xi1>) -> (vector<16xi1>, vector<16xf32>, vector<16xf32>)
      %sort3A_1028 = arith.constant dense<true> : vector<16xi1>
      %sort3A_1029, %sort3A_1030, %sort3A_1031 = tpu.sort %max3A_1023, %max3A_1023 masked %sort3A_1028 : (vector<16xf32>, vector<16xf32>, vector<16xi1>) -> (vector<16xi1>, vector<16xf32>, vector<16xf32>)
      %rev3A_1032 = arith.constant 15 : i32
      %rev3A_1033 = vector.broadcast %rev3A_1032 : i32 to vector<16xi32>
      %rev3A_1034 = tpu.iota {dimensions = array<i32: 0>} : vector<16xi32>
      %rev3A_1035 = arith.subi %rev3A_1033, %rev3A_1034 : vector<16xi32>
      %rev3A_1036 = tpu.dynamic_gather %sort3A_1030[%rev3A_1035] in [0] : vector<16xf32>, vector<16xi32> -> vector<16xf32>
      %rev3A_1037 = arith.constant 15 : i32
      %rev3A_1038 = vector.broadcast %rev3A_1037 : i32 to vector<16xi32>
      %rev3A_1039 = tpu.iota {dimensions = array<i32: 0>} : vector<16xi32>
      %rev3A_1040 = arith.subi %rev3A_1038, %rev3A_1039 : vector<16xi32>
      %rev3A_1041 = tpu.dynamic_gather %sort3A_1026[%rev3A_1040] in [0] : vector<16xf32>, vector<16xi32> -> vector<16xf32>
      %min3A_1042 = arith.minimumf %sort3A_1003, %rev3A_1036 : vector<16xf32>
      %min3A_1043 = arith.minimumf %sort3A_1007, %rev3A_1041 : vector<16xf32>
      %max3A_1044 = arith.maximumf %sort3A_1003, %rev3A_1036 : vector<16xf32>
      %max3A_1045 = arith.maximumf %sort3A_1007, %rev3A_1041 : vector<16xf32>
      %min3A_1046 = arith.minimumf %min3A_1042, %min3A_1043 : vector<16xf32>
      %max3A_1047 = arith.maximumf %min3A_1042, %min3A_1043 : vector<16xf32>
      %min3A_1048 = arith.minimumf %max3A_1044, %max3A_1045 : vector<16xf32>
      %max3A_1049 = arith.maximumf %max3A_1044, %max3A_1045 : vector<16xf32>
      %sort3A_1050 = arith.constant dense<true> : vector<16xi1>
      %sort3A_1051, %sort3A_1052, %sort3A_1053 = tpu.sort %min3A_1046, %min3A_1046 masked %sort3A_1050 : (vector<16xf32>, vector<16xf32>, vector<16xi1>) -> (vector<16xi1>, vector<16xf32>, vector<16xf32>)
      %sort3A_1054 = arith.constant dense<true> : vector<16xi1>
      %sort3A_1055, %sort3A_1056, %sort3A_1057 = tpu.sort %max3A_1047, %max3A_1047 masked %sort3A_1054 : (vector<16xf32>, vector<16xf32>, vector<16xi1>) -> (vector<16xi1>, vector<16xf32>, vector<16xf32>)
      %sort3A_1058 = arith.constant dense<true> : vector<16xi1>
      %sort3A_1059, %sort3A_1060, %sort3A_1061 = tpu.sort %min3A_1048, %min3A_1048 masked %sort3A_1058 : (vector<16xf32>, vector<16xf32>, vector<16xi1>) -> (vector<16xi1>, vector<16xf32>, vector<16xf32>)
      %sort3A_1062 = arith.constant dense<true> : vector<16xi1>
      %sort3A_1063, %sort3A_1064, %sort3A_1065 = tpu.sort %max3A_1049, %max3A_1049 masked %sort3A_1062 : (vector<16xf32>, vector<16xf32>, vector<16xi1>) -> (vector<16xi1>, vector<16xf32>, vector<16xf32>)
      %rev3A_1066 = arith.constant 15 : i32
      %rev3A_1067 = vector.broadcast %rev3A_1066 : i32 to vector<16xi32>
      %rev3A_1068 = tpu.iota {dimensions = array<i32: 0>} : vector<16xi32>
      %rev3A_1069 = arith.subi %rev3A_1067, %rev3A_1068 : vector<16xi32>
      %rev3A_1070 = tpu.dynamic_gather %sort3A_868[%rev3A_1069] in [0] : vector<16xf32>, vector<16xi32> -> vector<16xf32>
      %rev3A_1071 = arith.constant 15 : i32
      %rev3A_1072 = vector.broadcast %rev3A_1071 : i32 to vector<16xi32>
      %rev3A_1073 = tpu.iota {dimensions = array<i32: 0>} : vector<16xi32>
      %rev3A_1074 = arith.subi %rev3A_1072, %rev3A_1073 : vector<16xi32>
      %rev3A_1075 = tpu.dynamic_gather %sort3A_864[%rev3A_1074] in [0] : vector<16xf32>, vector<16xi32> -> vector<16xf32>
      %rev3A_1076 = arith.constant 15 : i32
      %rev3A_1077 = vector.broadcast %rev3A_1076 : i32 to vector<16xi32>
      %rev3A_1078 = tpu.iota {dimensions = array<i32: 0>} : vector<16xi32>
      %rev3A_1079 = arith.subi %rev3A_1077, %rev3A_1078 : vector<16xi32>
      %rev3A_1080 = tpu.dynamic_gather %sort3A_860[%rev3A_1079] in [0] : vector<16xf32>, vector<16xi32> -> vector<16xf32>
      %rev3A_1081 = arith.constant 15 : i32
      %rev3A_1082 = vector.broadcast %rev3A_1081 : i32 to vector<16xi32>
      %rev3A_1083 = tpu.iota {dimensions = array<i32: 0>} : vector<16xi32>
      %rev3A_1084 = arith.subi %rev3A_1082, %rev3A_1083 : vector<16xi32>
      %rev3A_1085 = tpu.dynamic_gather %sort3A_856[%rev3A_1084] in [0] : vector<16xf32>, vector<16xi32> -> vector<16xf32>
      %max3A_1086 = arith.maximumf %sort3A_758, %rev3A_1070 : vector<16xf32>
      %max3A_1087 = arith.maximumf %sort3A_762, %rev3A_1075 : vector<16xf32>
      %max3A_1088 = arith.maximumf %sort3A_766, %rev3A_1080 : vector<16xf32>
      %max3A_1089 = arith.maximumf %sort3A_770, %rev3A_1085 : vector<16xf32>
      %min3A_1090 = arith.minimumf %max3A_1086, %max3A_1088 : vector<16xf32>
      %min3A_1091 = arith.minimumf %max3A_1087, %max3A_1089 : vector<16xf32>
      %max3A_1092 = arith.maximumf %max3A_1086, %max3A_1088 : vector<16xf32>
      %max3A_1093 = arith.maximumf %max3A_1087, %max3A_1089 : vector<16xf32>
      %min3A_1094 = arith.minimumf %min3A_1090, %min3A_1091 : vector<16xf32>
      %max3A_1095 = arith.maximumf %min3A_1090, %min3A_1091 : vector<16xf32>
      %min3A_1096 = arith.minimumf %max3A_1092, %max3A_1093 : vector<16xf32>
      %max3A_1097 = arith.maximumf %max3A_1092, %max3A_1093 : vector<16xf32>
      %sort3A_1098 = arith.constant dense<true> : vector<16xi1>
      %sort3A_1099, %sort3A_1100, %sort3A_1101 = tpu.sort %min3A_1094, %min3A_1094 masked %sort3A_1098 : (vector<16xf32>, vector<16xf32>, vector<16xi1>) -> (vector<16xi1>, vector<16xf32>, vector<16xf32>)
      %sort3A_1102 = arith.constant dense<true> : vector<16xi1>
      %sort3A_1103, %sort3A_1104, %sort3A_1105 = tpu.sort %max3A_1095, %max3A_1095 masked %sort3A_1102 : (vector<16xf32>, vector<16xf32>, vector<16xi1>) -> (vector<16xi1>, vector<16xf32>, vector<16xf32>)
      %sort3A_1106 = arith.constant dense<true> : vector<16xi1>
      %sort3A_1107, %sort3A_1108, %sort3A_1109 = tpu.sort %min3A_1096, %min3A_1096 masked %sort3A_1106 : (vector<16xf32>, vector<16xf32>, vector<16xi1>) -> (vector<16xi1>, vector<16xf32>, vector<16xf32>)
      %sort3A_1110 = arith.constant dense<true> : vector<16xi1>
      %sort3A_1111, %sort3A_1112, %sort3A_1113 = tpu.sort %max3A_1097, %max3A_1097 masked %sort3A_1110 : (vector<16xf32>, vector<16xf32>, vector<16xi1>) -> (vector<16xi1>, vector<16xf32>, vector<16xf32>)
      %rev3A_1114 = arith.constant 15 : i32
      %rev3A_1115 = vector.broadcast %rev3A_1114 : i32 to vector<16xi32>
      %rev3A_1116 = tpu.iota {dimensions = array<i32: 0>} : vector<16xi32>
      %rev3A_1117 = arith.subi %rev3A_1115, %rev3A_1116 : vector<16xi32>
      %rev3A_1118 = tpu.dynamic_gather %sort3A_1064[%rev3A_1117] in [0] : vector<16xf32>, vector<16xi32> -> vector<16xf32>
      %rev3A_1119 = arith.constant 15 : i32
      %rev3A_1120 = vector.broadcast %rev3A_1119 : i32 to vector<16xi32>
      %rev3A_1121 = tpu.iota {dimensions = array<i32: 0>} : vector<16xi32>
      %rev3A_1122 = arith.subi %rev3A_1120, %rev3A_1121 : vector<16xi32>
      %rev3A_1123 = tpu.dynamic_gather %sort3A_1060[%rev3A_1122] in [0] : vector<16xf32>, vector<16xi32> -> vector<16xf32>
      %rev3A_1124 = arith.constant 15 : i32
      %rev3A_1125 = vector.broadcast %rev3A_1124 : i32 to vector<16xi32>
      %rev3A_1126 = tpu.iota {dimensions = array<i32: 0>} : vector<16xi32>
      %rev3A_1127 = arith.subi %rev3A_1125, %rev3A_1126 : vector<16xi32>
      %rev3A_1128 = tpu.dynamic_gather %sort3A_1056[%rev3A_1127] in [0] : vector<16xf32>, vector<16xi32> -> vector<16xf32>
      %rev3A_1129 = arith.constant 15 : i32
      %rev3A_1130 = vector.broadcast %rev3A_1129 : i32 to vector<16xi32>
      %rev3A_1131 = tpu.iota {dimensions = array<i32: 0>} : vector<16xi32>
      %rev3A_1132 = arith.subi %rev3A_1130, %rev3A_1131 : vector<16xi32>
      %rev3A_1133 = tpu.dynamic_gather %sort3A_1052[%rev3A_1132] in [0] : vector<16xf32>, vector<16xi32> -> vector<16xf32>
      %max3A_1134 = arith.maximumf %sort3A_954, %rev3A_1118 : vector<16xf32>
      %max3A_1135 = arith.maximumf %sort3A_958, %rev3A_1123 : vector<16xf32>
      %max3A_1136 = arith.maximumf %sort3A_962, %rev3A_1128 : vector<16xf32>
      %max3A_1137 = arith.maximumf %sort3A_966, %rev3A_1133 : vector<16xf32>
      %min3A_1138 = arith.minimumf %max3A_1134, %max3A_1136 : vector<16xf32>
      %min3A_1139 = arith.minimumf %max3A_1135, %max3A_1137 : vector<16xf32>
      %max3A_1140 = arith.maximumf %max3A_1134, %max3A_1136 : vector<16xf32>
      %max3A_1141 = arith.maximumf %max3A_1135, %max3A_1137 : vector<16xf32>
      %min3A_1142 = arith.minimumf %min3A_1138, %min3A_1139 : vector<16xf32>
      %max3A_1143 = arith.maximumf %min3A_1138, %min3A_1139 : vector<16xf32>
      %min3A_1144 = arith.minimumf %max3A_1140, %max3A_1141 : vector<16xf32>
      %max3A_1145 = arith.maximumf %max3A_1140, %max3A_1141 : vector<16xf32>
      %sort3A_1146 = arith.constant dense<true> : vector<16xi1>
      %sort3A_1147, %sort3A_1148, %sort3A_1149 = tpu.sort %min3A_1142, %min3A_1142 masked %sort3A_1146 : (vector<16xf32>, vector<16xf32>, vector<16xi1>) -> (vector<16xi1>, vector<16xf32>, vector<16xf32>)
      %sort3A_1150 = arith.constant dense<true> : vector<16xi1>
      %sort3A_1151, %sort3A_1152, %sort3A_1153 = tpu.sort %max3A_1143, %max3A_1143 masked %sort3A_1150 : (vector<16xf32>, vector<16xf32>, vector<16xi1>) -> (vector<16xi1>, vector<16xf32>, vector<16xf32>)
      %sort3A_1154 = arith.constant dense<true> : vector<16xi1>
      %sort3A_1155, %sort3A_1156, %sort3A_1157 = tpu.sort %min3A_1144, %min3A_1144 masked %sort3A_1154 : (vector<16xf32>, vector<16xf32>, vector<16xi1>) -> (vector<16xi1>, vector<16xf32>, vector<16xf32>)
      %sort3A_1158 = arith.constant dense<true> : vector<16xi1>
      %sort3A_1159, %sort3A_1160, %sort3A_1161 = tpu.sort %max3A_1145, %max3A_1145 masked %sort3A_1158 : (vector<16xf32>, vector<16xf32>, vector<16xi1>) -> (vector<16xi1>, vector<16xf32>, vector<16xf32>)
      %rev3A_1162 = arith.constant 15 : i32
      %rev3A_1163 = vector.broadcast %rev3A_1162 : i32 to vector<16xi32>
      %rev3A_1164 = tpu.iota {dimensions = array<i32: 0>} : vector<16xi32>
      %rev3A_1165 = arith.subi %rev3A_1163, %rev3A_1164 : vector<16xi32>
      %rev3A_1166 = tpu.dynamic_gather %sort3A_1160[%rev3A_1165] in [0] : vector<16xf32>, vector<16xi32> -> vector<16xf32>
      %rev3A_1167 = arith.constant 15 : i32
      %rev3A_1168 = vector.broadcast %rev3A_1167 : i32 to vector<16xi32>
      %rev3A_1169 = tpu.iota {dimensions = array<i32: 0>} : vector<16xi32>
      %rev3A_1170 = arith.subi %rev3A_1168, %rev3A_1169 : vector<16xi32>
      %rev3A_1171 = tpu.dynamic_gather %sort3A_1156[%rev3A_1170] in [0] : vector<16xf32>, vector<16xi32> -> vector<16xf32>
      %rev3A_1172 = arith.constant 15 : i32
      %rev3A_1173 = vector.broadcast %rev3A_1172 : i32 to vector<16xi32>
      %rev3A_1174 = tpu.iota {dimensions = array<i32: 0>} : vector<16xi32>
      %rev3A_1175 = arith.subi %rev3A_1173, %rev3A_1174 : vector<16xi32>
      %rev3A_1176 = tpu.dynamic_gather %sort3A_1152[%rev3A_1175] in [0] : vector<16xf32>, vector<16xi32> -> vector<16xf32>
      %rev3A_1177 = arith.constant 15 : i32
      %rev3A_1178 = vector.broadcast %rev3A_1177 : i32 to vector<16xi32>
      %rev3A_1179 = tpu.iota {dimensions = array<i32: 0>} : vector<16xi32>
      %rev3A_1180 = arith.subi %rev3A_1178, %rev3A_1179 : vector<16xi32>
      %rev3A_1181 = tpu.dynamic_gather %sort3A_1148[%rev3A_1180] in [0] : vector<16xf32>, vector<16xi32> -> vector<16xf32>
      %max3A_1182 = arith.maximumf %sort3A_1100, %rev3A_1166 : vector<16xf32>
      %max3A_1183 = arith.maximumf %sort3A_1104, %rev3A_1171 : vector<16xf32>
      %max3A_1184 = arith.maximumf %sort3A_1108, %rev3A_1176 : vector<16xf32>
      %max3A_1185 = arith.maximumf %sort3A_1112, %rev3A_1181 : vector<16xf32>
      %min3A_1186 = arith.minimumf %max3A_1182, %max3A_1184 : vector<16xf32>
      %min3A_1187 = arith.minimumf %max3A_1183, %max3A_1185 : vector<16xf32>
      %max3A_1188 = arith.maximumf %max3A_1182, %max3A_1184 : vector<16xf32>
      %max3A_1189 = arith.maximumf %max3A_1183, %max3A_1185 : vector<16xf32>
      %min3A_1190 = arith.minimumf %min3A_1186, %min3A_1187 : vector<16xf32>
      %max3A_1191 = arith.maximumf %min3A_1186, %min3A_1187 : vector<16xf32>
      %min3A_1192 = arith.minimumf %max3A_1188, %max3A_1189 : vector<16xf32>
      %max3A_1193 = arith.maximumf %max3A_1188, %max3A_1189 : vector<16xf32>
      %sort3A_1194 = arith.constant dense<true> : vector<16xi1>
      %sort3A_1195, %sort3A_1196, %sort3A_1197 = tpu.sort %min3A_1190, %min3A_1190 masked %sort3A_1194 : (vector<16xf32>, vector<16xf32>, vector<16xi1>) -> (vector<16xi1>, vector<16xf32>, vector<16xf32>)
      %sort3A_1198 = arith.constant dense<true> : vector<16xi1>
      %sort3A_1199, %sort3A_1200, %sort3A_1201 = tpu.sort %max3A_1191, %max3A_1191 masked %sort3A_1198 : (vector<16xf32>, vector<16xf32>, vector<16xi1>) -> (vector<16xi1>, vector<16xf32>, vector<16xf32>)
      %sort3A_1202 = arith.constant dense<true> : vector<16xi1>
      %sort3A_1203, %sort3A_1204, %sort3A_1205 = tpu.sort %min3A_1192, %min3A_1192 masked %sort3A_1202 : (vector<16xf32>, vector<16xf32>, vector<16xi1>) -> (vector<16xi1>, vector<16xf32>, vector<16xf32>)
      %sort3A_1206 = arith.constant dense<true> : vector<16xi1>
      %sort3A_1207, %sort3A_1208, %sort3A_1209 = tpu.sort %max3A_1193, %max3A_1193 masked %sort3A_1206 : (vector<16xf32>, vector<16xf32>, vector<16xi1>) -> (vector<16xi1>, vector<16xf32>, vector<16xf32>)
      %rev3A_1210 = arith.constant 15 : i32
      %rev3A_1211 = vector.broadcast %rev3A_1210 : i32 to vector<16xi32>
      %rev3A_1212 = tpu.iota {dimensions = array<i32: 0>} : vector<16xi32>
      %rev3A_1213 = arith.subi %rev3A_1211, %rev3A_1212 : vector<16xi32>
      %rev3A_1214 = tpu.dynamic_gather %sort3A_1208[%rev3A_1213] in [0] : vector<16xf32>, vector<16xi32> -> vector<16xf32>
      %rev3A_1215 = arith.constant 15 : i32
      %rev3A_1216 = vector.broadcast %rev3A_1215 : i32 to vector<16xi32>
      %rev3A_1217 = tpu.iota {dimensions = array<i32: 0>} : vector<16xi32>
      %rev3A_1218 = arith.subi %rev3A_1216, %rev3A_1217 : vector<16xi32>
      %rev3A_1219 = tpu.dynamic_gather %sort3A_1204[%rev3A_1218] in [0] : vector<16xf32>, vector<16xi32> -> vector<16xf32>
      %rev3A_1220 = arith.constant 15 : i32
      %rev3A_1221 = vector.broadcast %rev3A_1220 : i32 to vector<16xi32>
      %rev3A_1222 = tpu.iota {dimensions = array<i32: 0>} : vector<16xi32>
      %rev3A_1223 = arith.subi %rev3A_1221, %rev3A_1222 : vector<16xi32>
      %rev3A_1224 = tpu.dynamic_gather %sort3A_1200[%rev3A_1223] in [0] : vector<16xf32>, vector<16xi32> -> vector<16xf32>
      %rev3A_1225 = arith.constant 15 : i32
      %rev3A_1226 = vector.broadcast %rev3A_1225 : i32 to vector<16xi32>
      %rev3A_1227 = tpu.iota {dimensions = array<i32: 0>} : vector<16xi32>
      %rev3A_1228 = arith.subi %rev3A_1226, %rev3A_1227 : vector<16xi32>
      %rev3A_1229 = tpu.dynamic_gather %sort3A_1196[%rev3A_1228] in [0] : vector<16xf32>, vector<16xi32> -> vector<16xf32>
      %max3A_1230 = arith.maximumf %scan3A_92, %rev3A_1214 : vector<16xf32>
      %max3A_1231 = arith.maximumf %scan3A_93, %rev3A_1219 : vector<16xf32>
      %max3A_1232 = arith.maximumf %scan3A_94, %rev3A_1224 : vector<16xf32>
      %max3A_1233 = arith.maximumf %scan3A_95, %rev3A_1229 : vector<16xf32>
      %min3A_1234 = arith.minimumf %max3A_1230, %max3A_1232 : vector<16xf32>
      %min3A_1235 = arith.minimumf %max3A_1231, %max3A_1233 : vector<16xf32>
      %max3A_1236 = arith.maximumf %max3A_1230, %max3A_1232 : vector<16xf32>
      %max3A_1237 = arith.maximumf %max3A_1231, %max3A_1233 : vector<16xf32>
      %min3A_1238 = arith.minimumf %min3A_1234, %min3A_1235 : vector<16xf32>
      %max3A_1239 = arith.maximumf %min3A_1234, %min3A_1235 : vector<16xf32>
      %min3A_1240 = arith.minimumf %max3A_1236, %max3A_1237 : vector<16xf32>
      %max3A_1241 = arith.maximumf %max3A_1236, %max3A_1237 : vector<16xf32>
      %sort3A_1242 = arith.constant dense<true> : vector<16xi1>
      %sort3A_1243, %sort3A_1244, %sort3A_1245 = tpu.sort %min3A_1238, %min3A_1238 masked %sort3A_1242 : (vector<16xf32>, vector<16xf32>, vector<16xi1>) -> (vector<16xi1>, vector<16xf32>, vector<16xf32>)
      %sort3A_1246 = arith.constant dense<true> : vector<16xi1>
      %sort3A_1247, %sort3A_1248, %sort3A_1249 = tpu.sort %max3A_1239, %max3A_1239 masked %sort3A_1246 : (vector<16xf32>, vector<16xf32>, vector<16xi1>) -> (vector<16xi1>, vector<16xf32>, vector<16xf32>)
      %sort3A_1250 = arith.constant dense<true> : vector<16xi1>
      %sort3A_1251, %sort3A_1252, %sort3A_1253 = tpu.sort %min3A_1240, %min3A_1240 masked %sort3A_1250 : (vector<16xf32>, vector<16xf32>, vector<16xi1>) -> (vector<16xi1>, vector<16xf32>, vector<16xf32>)
      %sort3A_1254 = arith.constant dense<true> : vector<16xi1>
      %sort3A_1255, %sort3A_1256, %sort3A_1257 = tpu.sort %max3A_1241, %max3A_1241 masked %sort3A_1254 : (vector<16xf32>, vector<16xf32>, vector<16xi1>) -> (vector<16xi1>, vector<16xf32>, vector<16xf32>)
      scf.yield %sort3A_662, %sort3A_666, %sort3A_670, %sort3A_674, %sort3A_1244, %sort3A_1248, %sort3A_1252, %sort3A_1256 : vector<16xf32>, vector<16xf32>, vector<16xf32>, vector<16xf32>, vector<16xf32>, vector<16xf32>, vector<16xf32>, vector<16xf32>
    }
    %scan3A_32 = arith.constant 32 : i32
    %rev3A = arith.constant 15 : i32
    %rev3A_33 = vector.broadcast %rev3A : i32 to vector<16xi32>
    %rev3A_34 = tpu.iota {dimensions = array<i32: 0>} : vector<16xi32>
    %rev3A_35 = arith.subi %rev3A_33, %rev3A_34 : vector<16xi32>
    %rev3A_36 = tpu.dynamic_gather %scan3A_31#3[%rev3A_35] in [0] : vector<16xf32>, vector<16xi32> -> vector<16xf32>
    %swap3A = arith.constant 0 : index
    %swap3A_37 = tpu.vector_load %arg6[%swap3A] {strides = array<i32>} : memref<64xf32, #tpu.memory_space<vmem>>, vector<16xf32>,
    tpu.vector_store %arg6[%swap3A], %rev3A_36 {strides = array<i32>} : memref<64xf32, #tpu.memory_space<vmem>>, vector<16xf32>,
    %rev3A_38 = arith.constant 15 : i32
    %rev3A_39 = vector.broadcast %rev3A_38 : i32 to vector<16xi32>
    %rev3A_40 = tpu.iota {dimensions = array<i32: 0>} : vector<16xi32>
    %rev3A_41 = arith.subi %rev3A_39, %rev3A_40 : vector<16xi32>
    %rev3A_42 = tpu.dynamic_gather %scan3A_31#2[%rev3A_41] in [0] : vector<16xf32>, vector<16xi32> -> vector<16xf32>
    %swap3A_43 = arith.constant 16 : index
    %swap3A_44 = tpu.vector_load %arg6[%swap3A_43] {strides = array<i32>} : memref<64xf32, #tpu.memory_space<vmem>>, vector<16xf32>,
    tpu.vector_store %arg6[%swap3A_43], %rev3A_42 {strides = array<i32>} : memref<64xf32, #tpu.memory_space<vmem>>, vector<16xf32>,
    %rev3A_45 = arith.constant 15 : i32
    %rev3A_46 = vector.broadcast %rev3A_45 : i32 to vector<16xi32>
    %rev3A_47 = tpu.iota {dimensions = array<i32: 0>} : vector<16xi32>
    %rev3A_48 = arith.subi %rev3A_46, %rev3A_47 : vector<16xi32>
    %rev3A_49 = tpu.dynamic_gather %scan3A_31#1[%rev3A_48] in [0] : vector<16xf32>, vector<16xi32> -> vector<16xf32>
    %swap3A_50 = arith.constant 32 : index
    %swap3A_51 = tpu.vector_load %arg6[%swap3A_50] {strides = array<i32>} : memref<64xf32, #tpu.memory_space<vmem>>, vector<16xf32>,
    tpu.vector_store %arg6[%swap3A_50], %rev3A_49 {strides = array<i32>} : memref<64xf32, #tpu.memory_space<vmem>>, vector<16xf32>,
    %rev3A_52 = arith.constant 15 : i32
    %rev3A_53 = vector.broadcast %rev3A_52 : i32 to vector<16xi32>
    %rev3A_54 = tpu.iota {dimensions = array<i32: 0>} : vector<16xi32>
    %rev3A_55 = arith.subi %rev3A_53, %rev3A_54 : vector<16xi32>
    %rev3A_56 = tpu.dynamic_gather %scan3A_31#0[%rev3A_55] in [0] : vector<16xf32>, vector<16xi32> -> vector<16xf32>
    %swap3A_57 = arith.constant 48 : index
    %swap3A_58 = tpu.vector_load %arg6[%swap3A_57] {strides = array<i32>} : memref<64xf32, #tpu.memory_space<vmem>>, vector<16xf32>,
    tpu.vector_store %arg6[%swap3A_57], %rev3A_56 {strides = array<i32>} : memref<64xf32, #tpu.memory_space<vmem>>, vector<16xf32>,
    %rev3A_59 = arith.constant 15 : i32
    %rev3A_60 = vector.broadcast %rev3A_59 : i32 to vector<16xi32>
    %rev3A_61 = tpu.iota {dimensions = array<i32: 0>} : vector<16xi32>
    %rev3A_62 = arith.subi %rev3A_60, %rev3A_61 : vector<16xi32>
    %rev3A_63 = tpu.dynamic_gather %scan3A_31#7[%rev3A_62] in [0] : vector<16xf32>, vector<16xi32> -> vector<16xf32>
    %swap3A_64 = arith.constant 0 : index
    %swap3A_65 = tpu.vector_load %arg7[%swap3A_64] {strides = array<i32>} : memref<64xf32, #tpu.memory_space<vmem>>, vector<16xf32>,
    tpu.vector_store %arg7[%swap3A_64], %rev3A_63 {strides = array<i32>} : memref<64xf32, #tpu.memory_space<vmem>>, vector<16xf32>,
    %rev3A_66 = arith.constant 15 : i32
    %rev3A_67 = vector.broadcast %rev3A_66 : i32 to vector<16xi32>
    %rev3A_68 = tpu.iota {dimensions = array<i32: 0>} : vector<16xi32>
    %rev3A_69 = arith.subi %rev3A_67, %rev3A_68 : vector<16xi32>
    %rev3A_70 = tpu.dynamic_gather %scan3A_31#6[%rev3A_69] in [0] : vector<16xf32>, vector<16xi32> -> vector<16xf32>
    %swap3A_71 = arith.constant 16 : index
    %swap3A_72 = tpu.vector_load %arg7[%swap3A_71] {strides = array<i32>} : memref<64xf32, #tpu.memory_space<vmem>>, vector<16xf32>,
    tpu.vector_store %arg7[%swap3A_71], %rev3A_70 {strides = array<i32>} : memref<64xf32, #tpu.memory_space<vmem>>, vector<16xf32>,
    %rev3A_73 = arith.constant 15 : i32
    %rev3A_74 = vector.broadcast %rev3A_73 : i32 to vector<16xi32>
    %rev3A_75 = tpu.iota {dimensions = array<i32: 0>} : vector<16xi32>
    %rev3A_76 = arith.subi %rev3A_74, %rev3A_75 : vector<16xi32>
    %rev3A_77 = tpu.dynamic_gather %scan3A_31#5[%rev3A_76] in [0] : vector<16xf32>, vector<16xi32> -> vector<16xf32>
    %swap3A_78 = arith.constant 32 : index
    %swap3A_79 = tpu.vector_load %arg7[%swap3A_78] {strides = array<i32>} : memref<64xf32, #tpu.memory_space<vmem>>, vector<16xf32>,
    tpu.vector_store %arg7[%swap3A_78], %rev3A_77 {strides = array<i32>} : memref<64xf32, #tpu.memory_space<vmem>>, vector<16xf32>,
    %rev3A_80 = arith.constant 15 : i32
    %rev3A_81 = vector.broadcast %rev3A_80 : i32 to vector<16xi32>
    %rev3A_82 = tpu.iota {dimensions = array<i32: 0>} : vector<16xi32>
    %rev3A_83 = arith.subi %rev3A_81, %rev3A_82 : vector<16xi32>
    %rev3A_84 = tpu.dynamic_gather %scan3A_31#4[%rev3A_83] in [0] : vector<16xf32>, vector<16xi32> -> vector<16xf32>
    %swap3A_85 = arith.constant 48 : index
    %swap3A_86 = tpu.vector_load %arg7[%swap3A_85] {strides = array<i32>} : memref<64xf32, #tpu.memory_space<vmem>>, vector<16xf32>,
    tpu.vector_store %arg7[%swap3A_85], %rev3A_84 {strides = array<i32>} : memref<64xf32, #tpu.memory_space<vmem>>, vector<16xf32>,
    "tpu.region"() ({
      %run_scoped3A = tpu.sem_alloc : memref<!tpu.dma_semaphore, #tpu.memory_space<semaphore_mem>>
      %dma_start3A_87 = arith.constant 0 : i32
      %dma_start3A_88 = tpu.memref_slice %arg3[%mul3A_2, %dma_start3A_87] : memref<64x64xf32, #tpu.memory_space<hbm>> -> memref<1x64xf32, #tpu.memory_space<hbm>>
      %dma_start3A_89 = tpu.memref_squeeze %dma_start3A_88 : memref<1x64xf32, #tpu.memory_space<hbm>> -> memref<64xf32, #tpu.memory_space<hbm>>
      %dma_start3A_90 = arith.constant 0 : i32
      %dma_start3A_91 = tpu.memref_slice %arg3[%mul3A_2, %dma_start3A_90] : memref<64x64xf32, #tpu.memory_space<hbm>> -> memref<1x64xf32, #tpu.memory_space<hbm>>
      %dma_start3A_92 = tpu.memref_squeeze %dma_start3A_91 : memref<1x64xf32, #tpu.memory_space<hbm>> -> memref<64xf32, #tpu.memory_space<hbm>>
      tpu.enqueue_dma source(%arg6 : memref<64xf32, #tpu.memory_space<vmem>>) target(%dma_start3A_92 : memref<64xf32, #tpu.memory_space<hbm>>) target_semaphore(%run_scoped3A : memref<!tpu.dma_semaphore, #tpu.memory_space<semaphore_mem>>)
      %dma_wait3A_93 = arith.constant 0 : i32
      %dma_wait3A_94 = tpu.memref_slice %arg3[%mul3A_2, %dma_wait3A_93] : memref<64x64xf32, #tpu.memory_space<hbm>> -> memref<1x64xf32, #tpu.memory_space<hbm>>
      %dma_wait3A_95 = tpu.memref_squeeze %dma_wait3A_94 : memref<1x64xf32, #tpu.memory_space<hbm>> -> memref<64xf32, #tpu.memory_space<hbm>>
      %dma_wait3A_96 = arith.constant 0 : i32
      %dma_wait3A_97 = tpu.memref_slice %arg3[%mul3A_2, %dma_wait3A_96] : memref<64x64xf32, #tpu.memory_space<hbm>> -> memref<1x64xf32, #tpu.memory_space<hbm>>
      %dma_wait3A_98 = tpu.memref_squeeze %dma_wait3A_97 : memref<1x64xf32, #tpu.memory_space<hbm>> -> memref<64xf32, #tpu.memory_space<hbm>>
      tpu.wait_dma2 semaphore(%run_scoped3A : memref<!tpu.dma_semaphore, #tpu.memory_space<semaphore_mem>>) src(%arg6 : memref<64xf32, #tpu.memory_space<vmem>>) dst(%dma_wait3A_98 : memref<64xf32, #tpu.memory_space<hbm>>)
      tpu.yield
    }) : () -> ()
    "tpu.region"() ({
      %run_scoped3A = tpu.sem_alloc : memref<!tpu.dma_semaphore, #tpu.memory_space<semaphore_mem>>
      %dma_start3A_87 = arith.constant 0 : i32
      %dma_start3A_88 = tpu.memref_slice %arg3[%add3A_4, %dma_start3A_87] : memref<64x64xf32, #tpu.memory_space<hbm>> -> memref<1x64xf32, #tpu.memory_space<hbm>>
      %dma_start3A_89 = tpu.memref_squeeze %dma_start3A_88 : memref<1x64xf32, #tpu.memory_space<hbm>> -> memref<64xf32, #tpu.memory_space<hbm>>
      %dma_start3A_90 = arith.constant 0 : i32
      %dma_start3A_91 = tpu.memref_slice %arg3[%add3A_4, %dma_start3A_90] : memref<64x64xf32, #tpu.memory_space<hbm>> -> memref<1x64xf32, #tpu.memory_space<hbm>>
      %dma_start3A_92 = tpu.memref_squeeze %dma_start3A_91 : memref<1x64xf32, #tpu.memory_space<hbm>> -> memref<64xf32, #tpu.memory_space<hbm>>
      tpu.enqueue_dma source(%arg7 : memref<64xf32, #tpu.memory_space<vmem>>) target(%dma_start3A_92 : memref<64xf32, #tpu.memory_space<hbm>>) target_semaphore(%run_scoped3A : memref<!tpu.dma_semaphore, #tpu.memory_space<semaphore_mem>>)
      %dma_wait3A_93 = arith.constant 0 : i32
      %dma_wait3A_94 = tpu.memref_slice %arg3[%add3A_4, %dma_wait3A_93] : memref<64x64xf32, #tpu.memory_space<hbm>> -> memref<1x64xf32, #tpu.memory_space<hbm>>
      %dma_wait3A_95 = tpu.memref_squeeze %dma_wait3A_94 : memref<1x64xf32, #tpu.memory_space<hbm>> -> memref<64xf32, #tpu.memory_space<hbm>>
      %dma_wait3A_96 = arith.constant 0 : i32
      %dma_wait3A_97 = tpu.memref_slice %arg3[%add3A_4, %dma_wait3A_96] : memref<64x64xf32, #tpu.memory_space<hbm>> -> memref<1x64xf32, #tpu.memory_space<hbm>>
      %dma_wait3A_98 = tpu.memref_squeeze %dma_wait3A_97 : memref<1x64xf32, #tpu.memory_space<hbm>> -> memref<64xf32, #tpu.memory_space<hbm>>
      tpu.wait_dma2 semaphore(%run_scoped3A : memref<!tpu.dma_semaphore, #tpu.memory_space<semaphore_mem>>) src(%arg7 : memref<64xf32, #tpu.memory_space<vmem>>) dst(%dma_wait3A_98 : memref<64xf32, #tpu.memory_space<hbm>>)
      tpu.yield
    }) : () -> ()
    return
  }
}

</mosaic_0001>

<sc_bundles>
// kernel: kernel.3.cloned.1.call-start
scs
__scs_entry_jumppad:
0x0: {  	(pc) =	sbr.rel $0x88, $3  }
0x1: {  	(tag) =	ssettag $0x0;
	lr =	simm.s32 $0x1  }
0x2: {  	[smem:$0x3FA0] =	sst lr;
	_ =	strace $0xD0000000  }
0x3: {  	_ = 	snop  }
0x4: {  	_ = 	snop  }
0x5: {  	_ = 	snop  }
0x6: {  	_ = 	snop  }
0x7: {  	_ = 	snop  }
__scs_overlays_trampoline_lowered:
0x8: {  	[smem:$0x3FAF] =	sst s0  }
0x9: {  	[smem:$0x3FB0] =	sst s1  }
0xa: {  	[smem:$0x3FB1] =	sst s2  }
0xb: {  	[smem:$0x3FB2] =	sst s3  }
0xc: {  	[smem:$0x3FB3] =	sst s4  }
0xd: {  	[smem:$0x3FB4] =	sst s5  }
0xe: {  	[smem:$0x3FB5] =	sst s6  }
0xf: {  	[smem:$0x3FB6] =	sst s7  }
0x10: {  	[smem:$0x3FB7] =	sst s8  }
0x11: {  	[smem:$0x3FB8] =	sst s9;
	s0 =	simm.s32 @!p0 $0x0  }
0x12: {  	s1 =	sld [smem:$0x3F9E];
	s0 =	simm.s32 @p0 $0x1  }
0x13: {  	[smem:$0x3FB9] =	sst s0;
	s0 =	simm.s32 @!p1 $0x0  }
0x14: {  	s2 =	sld [smem:$0x3F9D];
	s0 =	simm.s32 @p1 $0x1  }
0x15: {  	[smem:$0x3FBA] =	sst s0;
	s0 =	simm.s32 @!p2 $0x0  }
0x16: {  	s3 =	sld [smem:$0x3FDB];
	s0 =	simm.s32 @p2 $0x1  }
0x17: {  	s4 =	simm.s32 $0x1BF5;
	[smem:$0x3FBC] =	sst s0  }
0x18: {  	s0 =	sld [smem:$0x3F9F];
	_ =	swait.ge [sflag:s4], $0x0  }
0x19: {  	s7 =	sld [smem:$0x3FA0]  }
0x1a: {  	s8 =	sadd.s32 $0xFFFFE003, lr  }
0x1b: {  	s9 =	sadd.s32 $0xFFFFFEF7, lr;
	s5 =	simm.s32 $0xFFFFFFFF;
	p2 =	slt.u32 s8, $0xFFFFF086  }
0x1c: {  	p1 =	slt.u32 s9, $0xF7A;
	s5 =	simm.s32 @!p2 $0x0  }
0x1d: {  	s5 =	simm.s32 @p1 $0x1;
	p0 =	seq.s32 s7, s2  }
0x1e: {  	s7 =	smul.u32 @!p0 $0xF7A, s2;
	p2 =	seq.s32 @!p0 s5, $0x0  }
0x1f: {  	s9 =	smul.u32 $0xF7A, s1;
	s8 =	simm.s32 @!p0 $0x1BF5;
	p2 =	por !p2, p0  }
0x20: {  	[sflag:s8] =	ssyncset.s32 @!p0 $0xFFFFF086;
	s6 =	sadd.s32 @!p0 s3, s7;
	s7 =	simm.s32 @!p0 $0x108  }
0x21: {  	s3 =	sadd.s32 s3, s9;
	s6 =	sadd.s32 @!p0 $0x88, s6;
	s7 =	simm.s32 @p2 $0x1082  }
0x22: {  	[simem:s7], [sflag:s8] =	dma.local @!p0 [hbm:s6], $0xF7A  }
0x23: {  	s9 =	sor.u32 $0xD0000000, s2;
	s6 =	simm.s32 $0x108;
	_ =	swait.ge @!p0 [sflag:s8], $0x0  }
0x24: {  	s3 =	sadd.s32 $0x88, s3;
	s6 =	simm.s32 @!p1 $0x1082;
	[sflag:s4] =	ssyncset.s32 $0xFFFFF086  }
0x25: {  	[simem:s6], [sflag:s4] =	dma.local [hbm:s3], $0xF7A  }
0x26: {  	[smem:$0x3FA0] =	sst s1;
	(tag) =	ssettag s2;
	_ =	strace s9  }
0x27: {  	s1 =	sld [smem:$0x3FB0]  }
0x28: {  	s2 =	sld [smem:$0x3FB1]  }
0x29: {  	s4 =	sld [smem:$0x3FB3]  }
0x2a: {  	p0 =	seq.s32 s5, $0x0;
	s5 =	sld [smem:$0x3FB4]  }
0x2b: {  	s6 =	sld [smem:$0x3FB5]  }
0x2c: {  	s7 =	sld [smem:$0x3FB6]  }
0x2d: {  	s3 =	simm.s32 $0x108;
	s8 =	sld [smem:$0x3FB7]  }
0x2e: {  	s3 =	simm.s32 @!p0 $0x1082;
	s9 =	sld [smem:$0x3FB8]  }
0x2f: {  	lr =	sadd.s32 s0, s3;
	s0 =	sld [smem:$0x3FAF]  }
0x30: {  	s3 =	sld [smem:$0x3FB2]  }
0x31: {  	[smem:$0x3FBB] =	sst s10  }
0x32: {  	s10 =	sld [smem:$0x3FB9];
	_ =	sdelay $0x3  }
0x33: {  	p0 =	seq.s32 s10, $0x1;
	s10 =	sld [smem:$0x3FBB];
	_ =	sdelay $0x3  }
0x34: {  	[smem:$0x3FBB] =	sst s10  }
0x35: {  	s10 =	sld [smem:$0x3FBA];
	_ =	sdelay $0x3  }
0x36: {  	p1 =	seq.s32 s10, $0x1;
	s10 =	sld [smem:$0x3FBB];
	_ =	sdelay $0x3  }
0x37: {  	[smem:$0x3FBB] =	sst s10  }
0x38: {  	s10 =	sld [smem:$0x3FBC]  }
0x39: {  	_ = 	snop;
	(pc) =	sbr.ind lr, $3  }
0x3a: {  	_ = 	snop  }
0x3b: {  	_ = 	snop  }
0x3c: {  	p2 =	seq.s32 s10, $0x1;
	s10 =	sld [smem:$0x3FBB]  }
0x3d: {  	_ =	shalt  }
0x3e: {  	_ =	shalt  }
0x3f: {  	_ =	shalt  }
0x40: {  	_ =	shalt  }
0x41: {  	_ =	shalt  }
0x42: {  	_ =	shalt  }
0x43: {  	_ =	shalt  }
0x44: {  	_ =	shalt  }
0x45: {  	_ =	shalt  }
0x46: {  	_ =	shalt  }
0x47: {  	_ =	shalt  }
0x48: {  	_ =	shalt  }
0x49: {  	_ =	shalt  }
0x4a: {  	_ =	shalt  }
0x4b: {  	_ =	shalt  }
0x4c: {  	_ =	shalt  }
0x4d: {  	_ =	shalt  }
0x4e: {  	_ =	shalt  }
0x4f: {  	_ =	shalt  }
0x50: {  	_ =	shalt  }
0x51: {  	_ =	shalt  }
0x52: {  	_ =	shalt  }
0x53: {  	_ =	shalt  }
0x54: {  	_ =	shalt  }
0x55: {  	_ =	shalt  }
0x56: {  	_ =	shalt  }
0x57: {  	_ =	shalt  }
0x58: {  	_ =	shalt  }
0x59: {  	_ =	shalt  }
0x5a: {  	_ =	shalt  }
0x5b: {  	_ =	shalt  }
0x5c: {  	_ =	shalt  }
0x5d: {  	_ =	shalt  }
0x5e: {  	_ =	shalt  }
0x5f: {  	_ =	shalt  }
0x60: {  	_ =	shalt  }
0x61: {  	_ =	shalt  }
0x62: {  	_ =	shalt  }
0x63: {  	_ =	shalt  }
0x64: {  	_ =	shalt  }
0x65: {  	_ =	shalt  }
0x66: {  	_ =	shalt  }
0x67: {  	_ =	shalt  }
0x68: {  	_ =	shalt  }
0x69: {  	_ =	shalt  }
0x6a: {  	_ =	shalt  }
0x6b: {  	_ =	shalt  }
0x6c: {  	_ =	shalt  }
0x6d: {  	_ =	shalt  }
0x6e: {  	_ =	shalt  }
0x6f: {  	_ =	shalt  }
0x70: {  	_ =	shalt  }
0x71: {  	_ =	shalt  }
0x72: {  	_ =	shalt  }
0x73: {  	_ =	shalt  }
0x74: {  	_ =	shalt  }
0x75: {  	_ =	shalt  }
0x76: {  	_ =	shalt  }
0x77: {  	_ =	shalt  }
0x78: {  	_ =	shalt  }
0x79: {  	_ =	shalt  }
0x7a: {  	_ =	shalt  }
0x7b: {  	_ =	shalt  }
0x7c: {  	_ =	shalt  }
0x7d: {  	_ =	shalt  }
0x7e: {  	_ =	shalt  }
0x7f: {  	_ =	shalt  }
0x80: {  	_ =	shalt  }
0x81: {  	_ =	shalt  }
0x82: {  	_ =	shalt  }
0x83: {  	_ =	shalt  }
0x84: {  	_ =	shalt  }
0x85: {  	_ =	shalt  }
0x86: {  	_ =	shalt  }
0x87: {  	_ =	shalt  }
.Lfunc_end0:
.L_simem_size_0:
called_computation_lowered:
.L_overlay_start_0:
0x88: {  	s2 =	sld [smem:$0x3FD9]  }
0x89: {  	s3 =	sld [smem:$0x3FFE];
	_ =	sdelay $0x1  }
0x8a: {  	s1 =	srdreg.scid  }
0x8b: {  	s0 =	sand.u32 $0x1, s1  }
0x8c: {  	s18 =	sshll.u32 s0, $0xA;
	s2 =	sadd.s32 s3, s2  }
0x8d: {  	s2 =	sadd.s32 s2, s18  }
0x8e: {  	[smem:$0x3FC7] =	sst s2  }
0x8f: {  	_ = 	snop  }
0x90: {  	s2 =	sld [smem:$0x3FC9]  }
0x91: {  	s19 =	sld [smem:$0x3FD0];
	(tm) =	ssettm $0x1  }
0x92: {  	s4 =	sld [smem:$0x3FFB];
	_ =	sdelay $0x3  }
0x93: {  	_ =	strace s4  }
0x94: {  	s4 =	sld [smem:$0x3FFC];
	_ =	sdelay $0x3  }
0x95: {  	_ =	strace s4  }
0x96: {  	s4 =	sld [smem:$0x3FFD];
	_ =	sdelay $0x3  }
0x97: {  	_ =	strace s4  }
0x98: {  	_ =	strace $0x8FFFFFFF  }
0x99: {  	s20 =	sld [smem:$0x3FDB];
	_ =	sdelay $0x1  }
0x9a: {  	s5 =	simm.s32 $_scs_section_size  }
0x9b: {  	s6 =	simm.s32 $_size__tile_overlayer_lowered;
	s7 =	simm.s32 $_tile_overlayer_lowered  }
0x9c: {  	s23 =	simm.s32 $0x1BFF;
	s22 =	sshll.u32 s7, $0x1;
	s4 =	sadd.s32 s5, s20  }
0x9d: {  	s8 =	simm.s32 $0x0;
	s21 =	sshll.u32 s6, $0x1;
	s6 =	sadd.s32 s22, s4  }
0x9e: {  	[timem:s8], [sflag:s23] =	dma.local [hbm:s6], s21  }
0x9f: {  	_ =	swait.ge [sflag:s23], s21  }
0xa0: {  	s5 =	ssub.s32 $0x0, s21;
	[sflag:s23] =	ssyncset.done $0x0  }
0xa1: {  	[sflag:s23] =	ssyncadd.s32 s5;
	_ =	sdelay $0x1  }
0xa2: {  	s24 =	simm.s32 $0x1B8B  }
0xa3: {  	_ =	swait.ge [sflag:s24], $0x1  }
0xa4: {  	[sflag:s24] =	ssyncset.done $0x0  }
0xa5: {  	s25 =	simm.s32 $0x1B8E;
	[sflag:s24] =	ssyncadd.s32 $0xFFFFFFFF  }
0xa6: {  	s26 =	simm.s32 $execute0_lowered;
	[smem:$0x3FD2] =	sst s25  }
0xa7: {  	s5 =	sshll.u32 s26, $0x1;
	_ =	strace $0x80000046;
	[dreg:$0x1] =	wrdreg $0xFFFFFFFF  }
0xa8: {  	s28 =	simm.s32 $_size_execute0_lowered;
	s4 =	sadd.s32 s4, s5;
	[dreg:$0x0] =	wrdreg $0x0  }
0xa9: {  	s5 =	sshll.u32 s28, $0x1;
	[dreg:$0x2] =	wrdreg s4  }
0xaa: {  	[dreg:$0x3] =	wrdreg s5  }
0xab: {  	[dreg:$0x4] =	wrdreg $0xC0  }
0xac: {  	_ =	task [dreg:s8], $0x5FFFF  }
0xad: {  	[dreg:$0x1] =	wrdreg $0xFFFFFFFF  }
0xae: {  	[dreg:$0x0] =	wrdreg $0x60  }
0xaf: {  	[dreg:$0x2] =	wrdreg s2  }
0xb0: {  	[dreg:$0x3] =	wrdreg s19  }
0xb1: {  	[dreg:$0x4] =	wrdreg $0x9  }
0xb2: {  	_ =	task.clear_ibuf [dreg:s8], $0x5FFFF;
	_ =	strace $0x90000046  }
0xb3: {  	s29 =	simm.s32 $0x9;
	_ =	strace $0x80000048  }
0xb4: {  	_ =	swait.ge [sflag:s29], $0x1  }
0xb5: {  	[sflag:s29] =	ssyncadd.s32 $0xFFFFFFFF  }
0xb6: {  	_ =	strace $0x90000048  }
0xb7: {  	_ =	sfence  }
0xb8: {  	s30 =	sld [smem:$0x0];
	_ =	sdelay $0x2  }
0xb9: {  	s31 =	sshll.u32 s1, $0xD;
	s1 =	sshrl.u32 s1, $0x2  }
0xba: {  	s3 =	sand.u32 $0x4000, s31;
	s1 =	sadd.s32 s1, s30  }
0xbb: {  	s0 =	sor.u32 s3, s0;
	s1 =	sshll.u32 s1, $0x11  }
0xbc: {  	s0 =	sor.u32 s1, s0  }
0xbd: {  	s0 =	sadd.s32 $0x8F2B, s0  }
0xbe: {  	[sflag:s0] =	ssyncadd.remote.s32 $0x1  }
0xbf: {  	_ =	sfence.sel $0xFFFF  }
0xc0: {  	[dreg:$0x0] =	wrdreg $0xFFFFFFFF;
	(pc) =	sbr.abs _section_cstart, $3  }
0xc1: {  	[dreg:$0x1] =	wrdreg $0xFFFFFFFF  }
0xc2: {  	_ =	task.clear_ibuf [dreg:s8], $0x2FFFF;
	_ =	strace $0x9FFFFFFF  }
0xc3: {  	(tm) =	ssettm $0x7FFFFFFF  }
tec
execute0_lowered:
.L_overlay_start_1:
0x0: {  	(tag) =	ssettag $0x1  }
0x1: {  	s4 =	rddreg [dreg:$0x0]  }
0x2: {  	s6 =	rddreg [dreg:$0x1]  }
0x3: {  	s0 =	rddreg [dreg:$0x2]  }
0x4: {  	s2 =	simm.s32 $0x0;
	s3 =	srdreg.scid;
	s1 =	stileid.u32  }
0x5: {  	s11 =	simm.s32 $0x1;
	s12 =	simm.s32 $0x2;
	s13 =	simm.s32 $0x4000  }
0x6: {  	s14 =	simm.s32 $0x3;
	s15 =	simm.s32 $0x4080;
	s16 =	simm.s32 $0x0  }
0x7: {  	[smem:$0x7FF] =	sst s2;
	s3 =	sand.u32 $0x1, s3;
	s5 =	sshll.u32 s1, $0x9  }
0x8: {  	s8 =	sshrl.u32 s1, $0x1;
	s7 =	sshll.u32 s3, $0x8;
	s5 =	sand.u32 $0x200, s5  }
0x9: {  	s3 =	ssub.s32 $0x2, s3;
	s28 =	sshll.u32 s8, $0x10;
	_ =	strace $0x80000047  }
0xa: {  	s8 =	sshll.u32 s8, $0xA;
	s5 =	sor.u32 s7, s5;
	s9 =	sshrl.u32 s3, $0x1  }
0xb: {  	s10 =	sor.u32 s28, s5;
	s9 =	ssub.s32 s3, s9;
	s30 =	sor.u32 $0x80, s5  }
0xc: {  	s5 =	sor.u32 s8, s5;
	s29 =	sshrl.u32 s10, $0x3;
	s7 =	sor.u32 s28, s30  }
0xd: {  	v0 =	vlaneseq.u32;
	s8 =	sor.u32 s8, s30;
	s5 =	sshrl.u32 s5, $0x3;
	s10 =	simm.s32 $0x2000  }
0xe: {  	v0 =	vmul.u32 $0xFFFFFFFF, v0;
	s3 =	sadd.s32 s4, s29;
	s7 =	sshrl.u32 s7, $0x3;
	s31 =	sshrl.u32 s8, $0x3  }
0xf: {  	s5 =	sadd.s32 s6, s5;
	s8 =	simm.s32 $0x80;
	s4 =	sadd.s32 s4, s7  }
0x10: {  	v0 =	vadd.s32 $0xF, v0;
	s6 =	sadd.s32 s6, s31;
	s7 =	smax.u32 s9, $0x1;
	s9 =	simm.s32 $0x400  }
.LBB2_1:
0x11: {  	[tilespmem:s2], [sflag:$0x1] =	stream.strided.gather [hbm4b:s3+s8], $0x2000, s9, s8, $0x38;
	[tilespmem:$0x4100] =	vst v63  }
0x12: {  	_ = 	snop  }
0x13: {  	[tilespmem:s10], [sflag:$0x2] =	stream.strided.gather [hbm4b:s4+s8], $0x2000, s9, s8, $0x38;
	[tilespmem:$0x4100] =	vst v63  }
0x14: {  	_ =	swait.ge [sflag:s11], $0x2000  }
0x15: {  	[sflag:s11] =	ssyncset.done $0x0  }
0x16: {  	[sflag:s11] =	ssyncadd.s32 $0xFFFFE000  }
0x17: {  	_ =	swait.ge [sflag:s12], $0x2000  }
0x18: {  	[sflag:s12] =	ssyncset.done $0x0  }
0x19: {  	s17 =	simm.s32 $0x0;
	[sflag:s12] =	ssyncadd.s32 $0xFFFFE000  }
0x1a: {  	v1 =	vld [tilespmem:s17+$0x0]  }
0x1b: {  	v2 =	vld [tilespmem:s17+$0x2000]  }
0x1c: {  	v3 =	vld [tilespmem:s17+$0x10]  }
0x1d: {  	v4 =	vld [tilespmem:s17+$0x20]  }
0x1e: {  	v5 =	vld [tilespmem:s17+$0x40]  }
0x1f: {  	v6 =	vld [tilespmem:s17+$0x80];
	(xrf1) =	vsort.ascd.msk.f32 $0xffff, v1, v1  }
0x20: {  	v1 =	vld [tilespmem:s17+$0x2010];
	(xrf1) =	vsort.ascd.msk.f32 $0xffff, v2, v2  }
0x21: {  	v2 =	vld [tilespmem:s17+$0x2020];
	(xrf1) =	vsort.ascd.msk.f32 $0xffff, v3, v3  }
0x22: {  	v3 =	vld [tilespmem:s17+$0x2040];
	(xrf1) =	vsort.ascd.msk.f32 $0xffff, v4, v4  }
0x23: {  	v4 =	vld [tilespmem:s17+$0x2080];
	(xrf1) =	vsort.ascd.msk.f32 $0xffff, v5, v5  }
0x24: {  	v5 =	vld [tilespmem:s17+$0x30];
	(xrf1) =	vsort.ascd.msk.f32 $0xffff, v6, v6  }
0x25: {  	(xrf1) =	vsort.ascd.msk.f32 $0xffff, v1, v1;
	v1 =	vld [tilespmem:s17+$0x50]  }
0x26: {  	(xrf1) =	vsort.ascd.msk.f32 $0xffff, v2, v2;
	v2 =	vld [tilespmem:s17+$0x60]  }
0x27: {  	(xrf1) =	vsort.ascd.msk.f32 $0xffff, v3, v3;
	v3 =	vld [tilespmem:s17+$0x90]  }
0x28: {  	v6 =	vld [tilespmem:s17+$0xA0];
	(xrf1) =	vsort.ascd.msk.f32 $0xffff, v4, v4  }
0x29: {  	v4 =	vld [tilespmem:s17+$0xC0];
	(xrf1) =	vsort.ascd.msk.f32 $0xffff, v5, v5  }
0x2a: {  	v5 =	vld [tilespmem:s17+$0x2030];
	(xrf1) =	vsort.ascd.msk.f32 $0xffff, v1, v1  }
0x2b: {  	v1 =	vld [tilespmem:s17+$0x2050];
	(xrf1) =	vsort.ascd.msk.f32 $0xffff, v2, v2  }
0x2c: {  	v2 =	vld [tilespmem:s17+$0x2060];
	(xrf1) =	vsort.ascd.msk.f32 $0xffff, v3, v3  }
0x2d: {  	v7 =	vld [tilespmem:s17+$0x2090];
	v3, _, _ =	vpop (xrf1);
	(xrf1) =	vsort.ascd.msk.f32 $0xffff, v6, v6  }
0x2e: {  	v6, _, _ =	vpop (xrf1);
	(xrf1) =	vsort.ascd.msk.f32 $0xffff, v4, v4;
	v4 =	vld [tilespmem:s17+$0x20A0]  }
0x2f: {  	v8, _, _ =	vpop (xrf1);
	(xrf1) =	vsort.ascd.msk.f32 $0xffff, v5, v5;
	v5 =	vld [tilespmem:s17+$0x20C0]  }
0x30: {  	v9, _, _ =	vpop (xrf1);
	(xrf1) =	vsort.ascd.msk.f32 $0xffff, v1, v1;
	v1 =	vld [tilespmem:s17+$0x70]  }
0x31: {  	v10, _, _ =	vpop (xrf1);
	(xrf1) =	vsort.ascd.msk.f32 $0xffff, v2, v2;
	v2 =	vld [tilespmem:s17+$0xB0]  }
0x32: {  	v11, _, _ =	vpop (xrf1);
	(xrf1) =	vsort.ascd.msk.f32 $0xffff, v7, v7;
	v7 =	vld [tilespmem:s17+$0xD0]  }
0x33: {  	v13 =	vld [tilespmem:s17+$0xE0];
	v12, _, _ =	vpop (xrf1);
	(xrf1) =	vsort.ascd.msk.f32 $0xffff, v4, v4  }
0x34: {  	v14 =	vld [tilespmem:s17+$0x2070];
	v4, _, _ =	vpop (xrf1);
	(xrf1) =	vsort.ascd.msk.f32 $0xffff, v5, v5  }
0x35: {  	v15 =	vld [tilespmem:s17+$0x20B0];
	v5, _, _ =	vpop (xrf1);
	(xrf1) =	vsort.ascd.msk.f32 $0xffff, v1, v1  }
0x36: {  	v16 =	vld [tilespmem:s17+$0x20D0];
	v1, _, _ =	vpop (xrf1);
	(xrf1) =	vsort.ascd.msk.f32 $0xffff, v2, v2  }
0x37: {  	v17 =	vld [tilespmem:s17+$0x20E0];
	v2, _, _ =	vpop (xrf1);
	(xrf1) =	vsort.ascd.msk.f32 $0xffff, v7, v7  }
0x38: {  	v18 =	vld [tilespmem:s17+$0xF0];
	v7, _, _ =	vpop (xrf1);
	(xrf1) =	vsort.ascd.msk.f32 $0xffff, v13, v13  }
0x39: {  	v13, _, _ =	vpop (xrf1);
	(xrf1) =	vsort.ascd.msk.f32 $0xffff, v14, v14  }
0x3a: {  	v19 =	vld [tilespmem:s17+$0x20F0];
	v14, _, _ =	vpop (xrf1);
	(xrf1) =	vsort.ascd.msk.f32 $0xffff, v15, v15  }
0x3b: {  	v15, _, _ =	vpop (xrf1);
	(xrf1) =	vsort.ascd.msk.f32 $0xffff, v16, v16  }
0x3c: {  	v16, _, _ =	vpop (xrf1);
	(xrf1) =	vsort.ascd.msk.f32 $0xffff, v17, v17  }
0x3d: {  	v8 =	vperm.xlane v8, v0;
	v17, _, _ =	vpop (xrf1);
	(xrf1) =	vsort.ascd.msk.f32 $0xffff, v18, v18  }
0x3e: {  	v18, _, _ =	vpop (xrf1)  }
0x3f: {  	v21 =	vmin.f32 v3, v8;
	v20, _, _ =	vpop (xrf1);
	(xrf1) =	vsort.ascd.msk.f32 $0xffff, v19, v19  }
0x40: {  	v12 =	vperm.xlane v12, v0;
	v19, _, _ =	vpop (xrf1)  }
0x41: {  	v3 =	vmax.f32 v3, v8;
	v2 =	vperm.xlane v2, v0;
	v22, _, _ =	vpop (xrf1)  }
0x42: {  	v23 =	vmin.f32 v6, v12;
	(xrf1) =	vsort.ascd.msk.f32 $0xffff, v21, v21;
	v21, _, _ =	vpop (xrf1)  }
0x43: {  	v24 =	vmin.f32 v9, v2;
	(xrf1) =	vsort.ascd.msk.f32 $0xffff, v3, v3;
	v8, _, _ =	vpop (xrf1)  }
0x44: {  	v2 =	vmax.f32 v9, v2;
	v17 =	vperm.xlane v17, v0;
	(xrf1) =	vsort.ascd.msk.f32 $0xffff, v23, v23;
	v3, _, _ =	vpop (xrf1)  }
0x45: {  	(xrf1) =	vsort.ascd.msk.f32 $0xffff, v24, v24;
	v8 =	vperm.xlane v8, v0;
	v23, _, _ =	vpop (xrf1)  }
0x46: {  	v24 =	vmin.f32 v4, v17;
	v4 =	vmax.f32 v4, v17;
	(xrf1) =	vsort.ascd.msk.f32 $0xffff, v2, v2;
	v9, _, _ =	vpop (xrf1)  }
0x47: {  	v3 =	vperm.xlane v3, v0;
	(xrf1) =	vsort.ascd.msk.f32 $0xffff, v24, v24;
	v2, _, _ =	vpop (xrf1)  }
0x48: {  	v24 =	vmin.f32 v13, v8;
	v8 =	vmax.f32 v13, v8;
	(xrf1) =	vsort.ascd.msk.f32 $0xffff, v4, v4;
	v17, _, _ =	vpop (xrf1)  }
0x49: {  	v2 =	vperm.xlane v2, v0;
	v4, _, _ =	vpop (xrf1);
	(xrf1) =	vsort.ascd.msk.f32 $0xffff, v24, v24  }
0x4a: {  	v24 =	vmin.f32 v15, v3;
	v3 =	vmax.f32 v15, v3;
	v13, _, _ =	vpop (xrf1);
	(xrf1) =	vsort.ascd.msk.f32 $0xffff, v8, v8  }
0x4b: {  	v6 =	vmax.f32 v6, v12;
	v8, _, _ =	vpop (xrf1);
	(xrf1) =	vsort.ascd.msk.f32 $0xffff, v24, v24  }
0x4c: {  	v15 =	vmin.f32 v20, v2;
	v8 =	vperm.xlane v8, v0;
	(xrf1) =	vsort.ascd.msk.f32 $0xffff, v3, v3  }
0x4d: {  	v7 =	vperm.xlane v7, v0;
	v2 =	vmax.f32 v20, v2;
	v3, _, _ =	vpop (xrf1);
	(xrf1) =	vsort.ascd.msk.f32 $0xffff, v15, v15  }
0x4e: {  	v15 =	vmin.f32 v9, v8;
	v3 =	vperm.xlane v3, v0;
	(xrf1) =	vsort.ascd.msk.f32 $0xffff, v2, v2  }
0x4f: {  	v12 =	vmin.f32 v10, v7;
	v2 =	vmax.f32 v9, v8;
	(xrf1) =	vsort.ascd.msk.f32 $0xffff, v15, v15  }
0x50: {  	v4 =	vperm.xlane v4, v0;
	v8, _, _ =	vpop (xrf1);
	v9 =	vmin.f32 v13, v3;
	(xrf1) =	vsort.ascd.msk.f32 $0xffff, v2, v2  }
0x51: {  	v15 =	vperm.xlane v17, v0;
	v3 =	vmax.f32 v13, v3;
	v20, _, _ =	vpop (xrf1);
	(xrf1) =	vsort.ascd.msk.f32 $0xffff, v9, v9  }
0x52: {  	v2 =	vperm.xlane v14, v0;
	v13 =	vperm.xlane v19, v0;
	v19, _, _ =	vpop (xrf1);
	(xrf1) =	vsort.ascd.msk.f32 $0xffff, v3, v3  }
0x53: {  	v9 =	vperm.xlane v18, v0;
	v3 =	vperm.xlane v23, v0;
	v14, _, _ =	vpop (xrf1);
	(xrf1) =	vsort.ascd.msk.f32 $0xffff, v6, v6  }
0x54: {  	v6 =	vmax.f32 v10, v7;
	v10 =	vmin.f32 v11, v2;
	v7, _, _ =	vpop (xrf1);
	(xrf1) =	vsort.ascd.msk.f32 $0xffff, v12, v12  }
0x55: {  	v2 =	vmax.f32 v11, v2;
	v12, _, _ =	vpop (xrf1);
	(xrf1) =	vsort.ascd.msk.f32 $0xffff, v6, v6;
	v6 =	vmin.f32 v5, v9  }
0x56: {  	v5 =	vmax.f32 v5, v9;
	v9 =	vmin.f32 v1, v13;
	v11, _, _ =	vpop (xrf1);
	(xrf1) =	vsort.ascd.msk.f32 $0xffff, v10, v10  }
0x57: {  	v1 =	vmax.f32 v1, v13;
	v7 =	vperm.xlane v7, v0;
	v10, _, _ =	vpop (xrf1);
	(xrf1) =	vsort.ascd.msk.f32 $0xffff, v2, v2  }
0x58: {  	v12 =	vperm.xlane v12, v0;
	v2 =	vmin.f32 v16, v3;
	v13, _, _ =	vpop (xrf1);
	(xrf1) =	vsort.ascd.msk.f32 $0xffff, v6, v6  }
0x59: {  	v3 =	vmax.f32 v16, v3;
	v6 =	vmin.f32 v22, v15;
	v16, _, _ =	vpop (xrf1);
	(xrf1) =	vsort.ascd.msk.f32 $0xffff, v5, v5  }
0x5a: {  	v22 =	vmax.f32 v22, v15;
	v23 =	vperm.xlane v10, v0;
	v15, _, _ =	vpop (xrf1);
	(xrf1) =	vsort.ascd.msk.f32 $0xffff, v9, v9  }
0x5b: {  	v5 =	vmin.f32 v21, v4;
	v4 =	vmax.f32 v21, v4;
	v9, _, _ =	vpop (xrf1);
	(xrf1) =	vsort.ascd.msk.f32 $0xffff, v1, v1  }
0x5c: {  	v21 =	vperm.xlane v14, v0;
	v1 =	vperm.xlane v11, v0;
	v11, _, _ =	vpop (xrf1);
	(xrf1) =	vsort.ascd.msk.f32 $0xffff, v2, v2  }
0x5d: {  	v17 =	vperm.xlane v16, v0;
	v2 =	vperm.xlane v13, v0;
	v13, _, _ =	vpop (xrf1);
	(xrf1) =	vsort.ascd.msk.f32 $0xffff, v3, v3  }
0x5e: {  	v18 =	vperm.xlane v15, v0;
	v15 =	vperm.xlane v9, v0;
	v3, _, _ =	vpop (xrf1);
	(xrf1) =	vsort.ascd.msk.f32 $0xffff, v6, v6  }
0x5f: {  	v16 =	vperm.xlane v11, v0;
	v13 =	vperm.xlane v13, v0;
	(xrf1) =	vsort.ascd.msk.f32 $0xffff, v22, v22  }
0x60: {  	v6, _, _ =	vpop (xrf1);
	v14 =	vperm.xlane v3, v0;
	v22 =	vmin.f32 v19, v1;
	v1 =	vmax.f32 v19, v1  }
0x61: {  	v3, _, _ =	vpop (xrf1);
	(xrf1) =	vsort.ascd.msk.f32 $0xffff, v5, v5;
	v9 =	vperm.xlane v6, v0;
	v5 =	vmin.f32 v20, v21  }
0x62: {  	v10 =	vperm.xlane v3, v0;
	(xrf1) =	vsort.ascd.msk.f32 $0xffff, v4, v4;
	v3 =	vmin.f32 v8, v7;
	v4, _, _ =	vpop (xrf1)  }
0x63: {  	v6 =	vmax.f32 v8, v7;
	v7 =	vmax.f32 v20, v21;
	v8, _, _ =	vpop (xrf1);
	v11 =	vmin.f32 v3, v5  }
0x64: {  	v3 =	vmax.f32 v3, v5;
	v26 =	vmin.f32 v4, v12;
	v5, _, _ =	vpop (xrf1);
	(xrf1) =	vsort.ascd.msk.f32 $0xffff, v11, v11  }
0x65: {  	v4 =	vmax.f32 v4, v12;
	v11 =	vmin.f32 v6, v7;
	v24, _, _ =	vpop (xrf1);
	(xrf1) =	vsort.ascd.msk.f32 $0xffff, v3, v3  }
0x66: {  	v3 =	vmax.f32 v6, v7;
	v7 =	vmin.f32 v8, v2;
	v6 =	vmin.f32 v22, v26;
	v25, _, _ =	vpop (xrf1)  }
0x67: {  	v28 =	vmax.f32 v5, v23;
	(xrf1) =	vsort.ascd.msk.f32 $0xffff, v11, v11;
	v11 =	vmax.f32 v22, v26;
	v20, _, _ =	vpop (xrf1)  }
0x68: {  	v26 =	vmax.f32 v8, v2;
	v2 =	vmin.f32 v1, v4;
	(xrf1) =	vsort.ascd.msk.f32 $0xffff, v3, v3;
	v21, _, _ =	vpop (xrf1)  }
0x69: {  	v1 =	vmax.f32 v1, v4;
	v27 =	vmin.f32 v24, v18;
	(xrf1) =	vsort.ascd.msk.f32 $0xffff, v6, v6;
	v12, _, _ =	vpop (xrf1)  }
0x6a: {  	v8 =	vimm.f32 $-Inf;
	v3 =	vmin.f32 v5, v23;
	v29 =	vmin.f32 v25, v17;
	(xrf1) =	vsort.ascd.msk.f32 $0xffff, v11, v11;
	v11, _, _ =	vpop (xrf1)  }
0x6b: {  	v5 =	vimm.f32 $-Inf;
	v6 =	vimm.f32 $-Inf;
	v4 =	vmin.f32 v7, v3;
	(xrf1) =	vsort.ascd.msk.f32 $0xffff, v2, v2;
	v22, _, _ =	vpop (xrf1)  }
0x6c: {  	v30 =	vmax.f32 v7, v3;
	v7 =	vimm.f32 $-Inf;
	v3 =	vimm.f32 $-Inf;
	(xrf1) =	vsort.ascd.msk.f32 $0xffff, v1, v1;
	v23, _, _ =	vpop (xrf1)  }
0x6d: {  	s17 =	simm.s32 $0x400;
	v2 =	vimm.f32 $-Inf;
	v1 =	vimm.f32 $-Inf;
	(xrf1) =	vsort.ascd.msk.f32 $0xffff, v4, v4;
	v4 =	vimm.f32 $-Inf;
	v19, _, _ =	vpop (xrf1)  }
.LBB2_2:
0x6e: {  	p0 =	sne.s32 s17, $0x7C00;
	v31 =	vmin.f32 v26, v28;
	v18 =	vmax.f32 v24, v18;
	(xrf1) =	vsort.ascd.msk.f32 $0xffff, v30, v30;
	v24, _, _ =	vpop (xrf1)  }
0x6f: {  	v32 =	vmax.f32 v26, v28;
	v25 =	vmax.f32 v25, v17;
	(xrf1) =	vsort.ascd.msk.f32 $0xffff, v31, v31;
	v28, _, _ =	vpop (xrf1)  }
0x70: {  	v17 =	vmin.f32 v27, v29;
	v30 =	vmin.f32 v20, v16;
	(xrf1) =	vsort.ascd.msk.f32 $0xffff, v32, v32;
	v26, _, _ =	vpop (xrf1)  }
0x71: {  	v27 =	vmax.f32 v27, v29;
	v29 =	vmin.f32 v21, v15;
	(xrf1) =	vsort.ascd.msk.f32 $0xffff, v17, v17  }
0x72: {  	v20 =	vmax.f32 v20, v16;
	v17 =	vmin.f32 v18, v25;
	(xrf1) =	vsort.ascd.msk.f32 $0xffff, v27, v27  }
0x73: {  	v21 =	vmax.f32 v21, v15;
	v27 =	vmin.f32 v30, v29;
	v15, _, _ =	vpop (xrf1);
	(xrf1) =	vsort.ascd.msk.f32 $0xffff, v17, v17  }
0x74: {  	v31 =	vmin.f32 v22, v14;
	v29 =	vmax.f32 v30, v29;
	v16, _, _ =	vpop (xrf1);
	(xrf1) =	vsort.ascd.msk.f32 $0xffff, v27, v27  }
0x75: {  	v30 =	vmin.f32 v20, v21;
	v27 =	vmin.f32 v23, v13;
	v17, _, _ =	vpop (xrf1);
	(xrf1) =	vsort.ascd.msk.f32 $0xffff, v29, v29  }
0x76: {  	v14 =	vmax.f32 v22, v14;
	v20 =	vmax.f32 v20, v21;
	v21, _, _ =	vpop (xrf1);
	(xrf1) =	vsort.ascd.msk.f32 $0xffff, v30, v30  }
0x77: {  	v13 =	vmax.f32 v23, v13;
	v29 =	vmin.f32 v31, v27;
	v23, _, _ =	vpop (xrf1);
	(xrf1) =	vsort.ascd.msk.f32 $0xffff, v20, v20  }
0x78: {  	v31 =	vmax.f32 v31, v27;
	v27 =	vmin.f32 v28, v10;
	(xrf1) =	vsort.ascd.msk.f32 $0xffff, v29, v29;
	v22, _, _ =	vpop (xrf1)  }
0x79: {  	v30 =	vmin.f32 v26, v9;
	v29 =	vmin.f32 v14, v13;
	(xrf1) =	vsort.ascd.msk.f32 $0xffff, v31, v31;
	v20, _, _ =	vpop (xrf1)  }
0x7a: {  	v10 =	vmax.f32 v28, v10;
	v13 =	vmax.f32 v14, v13;
	(xrf1) =	vsort.ascd.msk.f32 $0xffff, v29, v29;
	v14, _, _ =	vpop (xrf1)  }
0x7b: {  	v9 =	vmax.f32 v26, v9;
	v26 =	vmin.f32 v27, v30;
	v28, _, _ =	vpop (xrf1);
	(xrf1) =	vsort.ascd.msk.f32 $0xffff, v13, v13  }
0x7c: {  	v13 =	vperm.xlane v24, v0;
	v24 =	vmin.f32 v10, v9;
	v29, _, _ =	vpop (xrf1);
	(xrf1) =	vsort.ascd.msk.f32 $0xffff, v26, v26  }
0x7d: {  	v19 =	vperm.xlane v19, v0;
	v9 =	vmax.f32 v10, v9;
	v10, _, _ =	vpop (xrf1);
	(xrf1) =	vsort.ascd.msk.f32 $0xffff, v24, v24  }
0x7e: {  	v26 =	vmax.f32 v27, v30;
	v24 =	vmin.f32 v12, v13;
	v27, _, _ =	vpop (xrf1);
	(xrf1) =	vsort.ascd.msk.f32 $0xffff, v9, v9  }
0x7f: {  	s18 =	sshra.s32 s17, $0x2;
	v9 =	vmax.f32 v18, v25;
	v18 =	vmin.f32 v11, v19;
	v25, _, _ =	vpop (xrf1);
	(xrf1) =	vsort.ascd.msk.f32 $0xffff, v26, v26  }
0x80: {  	v12 =	vmax.f32 v12, v13;
	v13 =	vmin.f32 v24, v18;
	v26 =	vld [tilespmem:s18+$0x0];
	v30, _, _ =	vpop (xrf1);
	(xrf1) =	vsort.ascd.msk.f32 $0xffff, v9, v9  }
0x81: {  	v11 =	vmax.f32 v11, v19;
	v18 =	vmax.f32 v24, v18;
	v9 =	vld [tilespmem:s18+$0x2000];
	v19, _, _ =	vpop (xrf1);
	(xrf1) =	vsort.ascd.msk.f32 $0xffff, v13, v13  }
0x82: {  	v24 =	vmin.f32 v12, v11;
	v13 =	vld [tilespmem:s18+$0x10];
	v31, _, _ =	vpop (xrf1);
	(xrf1) =	vsort.ascd.msk.f32 $0xffff, v18, v18  }
0x83: {  	v11 =	vmax.f32 v12, v11;
	v18 =	vld [tilespmem:s18+$0x20];
	v12, _, _ =	vpop (xrf1);
	(xrf1) =	vsort.ascd.msk.f32 $0xffff, v24, v24  }
0x84: {  	v24 =	vld [tilespmem:s18+$0x40];
	v32, _, _ =	vpop (xrf1);
	(xrf1) =	vsort.ascd.msk.f32 $0xffff, v11, v11  }
0x85: {  	v11 =	vld [tilespmem:s18+$0x80];
	(xrf1) =	vsort.ascd.msk.f32 $0xffff, v26, v26;
	v26, _, _ =	vpop (xrf1)  }
0x86: {  	v33 =	vld [tilespmem:s18+$0x2010];
	(xrf1) =	vsort.ascd.msk.f32 $0xffff, v9, v9;
	v9, _, _ =	vpop (xrf1)  }
0x87: {  	v10 =	vperm.xlane v10, v0;
	v34 =	vld [tilespmem:s18+$0x2020];
	(xrf1) =	vsort.ascd.msk.f32 $0xffff, v13, v13;
	v13 =	vperm.xlane v27, v0;
	v27, _, _ =	vpop (xrf1)  }
0x88: {  	v28 =	vperm.xlane v28, v0;
	v35 =	vld [tilespmem:s18+$0x2040];
	(xrf1) =	vsort.ascd.msk.f32 $0xffff, v18, v18;
	v18 =	vperm.xlane v29, v0;
	v29, _, _ =	vpop (xrf1)  }
0x89: {  	(xrf1) =	vsort.ascd.msk.f32 $0xffff, v24, v24;
	v24 =	vperm.xlane v26, v0;
	v26 =	vperm.xlane v32, v0;
	v32, _, _ =	vpop (xrf1)  }
0x8a: {  	(xrf1) =	vsort.ascd.msk.f32 $0xffff, v11, v11;
	v11 =	vperm.xlane v12, v0;
	v12 =	vperm.xlane v31, v0;
	v31, _, _ =	vpop (xrf1)  }
0x8b: {  	v29 =	vperm.xlane v29, v0;
	v32 =	vperm.xlane v32, v0;
	(xrf1) =	vsort.ascd.msk.f32 $0xffff, v33, v33;
	v33, _, _ =	vpop (xrf1)  }
0x8c: {  	v9 =	vperm.xlane v9, v0;
	v27 =	vperm.xlane v27, v0;
	(xrf1) =	vsort.ascd.msk.f32 $0xffff, v34, v34;
	v34, _, _ =	vpop (xrf1)  }
0x8d: {  	v33 =	vperm.xlane v33, v0;
	(xrf1) =	vsort.ascd.msk.f32 $0xffff, v35, v35;
	v34 =	vperm.xlane v34, v0;
	v35, _, _ =	vpop (xrf1)  }
0x8e: {  	v15 =	vmax.f32 v15, v13;
	v31 =	vperm.xlane v31, v0;
	v35 =	vperm.xlane v35, v0;
	v13, _, _ =	vpop (xrf1)  }
0x8f: {  	v10 =	vmax.f32 v16, v10;
	v16 =	vmax.f32 v17, v18;
	v17 =	vmax.f32 v21, v28;
	v18, _, _ =	vpop (xrf1)  }
0x90: {  	v21 =	vmax.f32 v23, v24;
	v22 =	vmax.f32 v22, v26;
	v20 =	vmax.f32 v20, v11;
	v11, _, _ =	vpop (xrf1)  }
0x91: {  	v24 =	vmax.f32 v30, v29;
	v23 =	vmax.f32 v25, v32;
	v25 =	vmax.f32 v14, v12;
	v12, _, _ =	vpop (xrf1)  }
0x92: {  	v26 =	vmax.f32 v19, v27;
	v27 =	vmax.f32 v13, v9;
	v18 =	vmax.f32 v18, v34;
	v9, _, _ =	vpop (xrf1)  }
0x93: {  	v28 =	vmax.f32 v11, v33;
	v29 =	vmax.f32 v12, v35;
	v13, _, _ =	vpop (xrf1);
	v30 =	vmax.f32 v9, v31  }
0x94: {  	v11 =	vmin.f32 v15, v16;
	v15 =	vmax.f32 v15, v16;
	v12 =	vmin.f32 v10, v17;
	v9, _, _ =	vpop (xrf1)  }
0x95: {  	v16 =	vmax.f32 v10, v17;
	v17 =	vmin.f32 v21, v20;
	v10 =	vmin.f32 v11, v12;
	v19, _, _ =	vpop (xrf1)  }
0x96: {  	v12 =	vmax.f32 v11, v12;
	v31 =	vmin.f32 v22, v25;
	v14, _, _ =	vpop (xrf1);
	(xrf1) =	vsort.ascd.msk.f32 $0xffff, v10, v10  }
0x97: {  	v33 =	vmin.f32 v23, v26;
	v32 =	vmin.f32 v15, v16;
	v11, _, _ =	vpop (xrf1);
	(xrf1) =	vsort.ascd.msk.f32 $0xffff, v12, v12  }
0x98: {  	v34 =	vmin.f32 v24, v27;
	v12 =	vmax.f32 v15, v16;
	v10, _, _ =	vpop (xrf1);
	(xrf1) =	vsort.ascd.msk.f32 $0xffff, v32, v32  }
0x99: {  	v23 =	vmax.f32 v23, v26;
	v26 =	vmin.f32 v17, v31;
	v16, _, _ =	vpop (xrf1);
	(xrf1) =	vsort.ascd.msk.f32 $0xffff, v12, v12  }
0x9a: {  	v24 =	vmax.f32 v24, v27;
	v27 =	vmin.f32 v33, v34;
	v15, _, _ =	vpop (xrf1);
	(xrf1) =	vsort.ascd.msk.f32 $0xffff, v26, v26  }
0x9b: {  	v32 =	vmin.f32 v18, v29;
	v26 =	vmax.f32 v33, v34;
	v12, _, _ =	vpop (xrf1);
	(xrf1) =	vsort.ascd.msk.f32 $0xffff, v27, v27  }
0x9c: {  	v33 =	vmin.f32 v28, v30;
	v27 =	vmin.f32 v23, v24;
	(xrf1) =	vsort.ascd.msk.f32 $0xffff, v26, v26  }
0x9d: {  	v18 =	vmax.f32 v18, v29;
	v23 =	vmax.f32 v23, v24;
	(xrf1) =	vsort.ascd.msk.f32 $0xffff, v27, v27  }
0x9e: {  	v24 =	vmax.f32 v28, v30;
	v26 =	vmin.f32 v32, v33;
	(xrf1) =	vsort.ascd.msk.f32 $0xffff, v23, v23  }
0x9f: {  	v23 =	vmin.f32 v18, v24;
	(xrf1) =	vsort.ascd.msk.f32 $0xffff, v26, v26  }
0xa0: {  	v18 =	vmax.f32 v18, v24;
	(xrf1) =	vsort.ascd.msk.f32 $0xffff, v23, v23  }
0xa1: {  	v20 =	vmax.f32 v21, v20;
	v21 =	vmax.f32 v32, v33;
	v23 =	vld [tilespmem:s18+$0x2080];
	(xrf1) =	vsort.ascd.msk.f32 $0xffff, v18, v18  }
0xa2: {  	v25 =	vmax.f32 v22, v25;
	v17 =	vmax.f32 v17, v31;
	v18 =	vld [tilespmem:s18+$0x30];
	(xrf1) =	vsort.ascd.msk.f32 $0xffff, v21, v21  }
0xa3: {  	v24 =	vmin.f32 v20, v25;
	v21 =	vld [tilespmem:s18+$0x50];
	(xrf1) =	vsort.ascd.msk.f32 $0xffff, v17, v17  }
0xa4: {  	v20 =	vmax.f32 v20, v25;
	v17 =	vld [tilespmem:s18+$0x60];
	v22, _, _ =	vpop (xrf1);
	(xrf1) =	vsort.ascd.msk.f32 $0xffff, v24, v24  }
0xa5: {  	v24 =	vld [tilespmem:s18+$0x90];
	v25, _, _ =	vpop (xrf1);
	(xrf1) =	vsort.ascd.msk.f32 $0xffff, v20, v20  }
0xa6: {  	v20 =	vld [tilespmem:s18+$0xA0];
	(xrf1) =	vsort.ascd.msk.f32 $0xffff, v23, v23;
	v23, _, _ =	vpop (xrf1)  }
0xa7: {  	v26 =	vld [tilespmem:s18+$0xC0];
	(xrf1) =	vsort.ascd.msk.f32 $0xffff, v18, v18;
	v18, _, _ =	vpop (xrf1)  }
0xa8: {  	v27 =	vld [tilespmem:s18+$0x2030];
	(xrf1) =	vsort.ascd.msk.f32 $0xffff, v21, v21;
	v21, _, _ =	vpop (xrf1)  }
0xa9: {  	v28 =	vld [tilespmem:s18+$0x2050];
	(xrf1) =	vsort.ascd.msk.f32 $0xffff, v17, v17;
	v17, _, _ =	vpop (xrf1)  }
0xaa: {  	v29 =	vld [tilespmem:s18+$0x2060];
	(xrf1) =	vsort.ascd.msk.f32 $0xffff, v24, v24;
	v24, _, _ =	vpop (xrf1)  }
0xab: {  	v30 =	vld [tilespmem:s18+$0x2090];
	(xrf1) =	vsort.ascd.msk.f32 $0xffff, v20, v20;
	v20, _, _ =	vpop (xrf1)  }
0xac: {  	(xrf1) =	vsort.ascd.msk.f32 $0xffff, v26, v26;
	v26, _, _ =	vpop (xrf1)  }
0xad: {  	(xrf1) =	vsort.ascd.msk.f32 $0xffff, v27, v27;
	v27, _, _ =	vpop (xrf1)  }
0xae: {  	v20 =	vperm.xlane v20, v0;
	v26 =	vperm.xlane v26, v0;
	(xrf1) =	vsort.ascd.msk.f32 $0xffff, v28, v28;
	v28, _, _ =	vpop (xrf1)  }
0xaf: {  	v31 =	vperm.xlane v17, v0;
	v24 =	vperm.xlane v24, v0;
	(xrf1) =	vsort.ascd.msk.f32 $0xffff, v29, v29;
	v29, _, _ =	vpop (xrf1)  }
0xb0: {  	v28 =	vperm.xlane v28, v0;
	(xrf1) =	vsort.ascd.msk.f32 $0xffff, v30, v30;
	v29 =	vperm.xlane v29, v0;
	v30, _, _ =	vpop (xrf1)  }
0xb1: {  	v27 =	vperm.xlane v27, v0;
	v22 =	vmax.f32 v22, v26;
	v26 =	vperm.xlane v30, v0;
	v30, _, _ =	vpop (xrf1)  }
0xb2: {  	v18 =	vmax.f32 v18, v31;
	v23 =	vmax.f32 v23, v24;
	v20 =	vmax.f32 v25, v20;
	v17, _, _ =	vpop (xrf1)  }
0xb3: {  	v25 =	vmax.f32 v21, v29;
	v29 =	vmax.f32 v30, v28;
	v26 =	vmax.f32 v17, v26;
	v21, _, _ =	vpop (xrf1)  }
0xb4: {  	v24 =	vmin.f32 v22, v23;
	v30 =	vmin.f32 v20, v18;
	v17, _, _ =	vpop (xrf1);
	v27 =	vmax.f32 v21, v27  }
0xb5: {  	v22 =	vmax.f32 v22, v23;
	v18 =	vmax.f32 v20, v18;
	v21 =	vmin.f32 v24, v30;
	v28, _, _ =	vpop (xrf1)  }
0xb6: {  	v23 =	vmax.f32 v24, v30;
	v31 =	vmin.f32 v25, v26;
	v20, _, _ =	vpop (xrf1);
	(xrf1) =	vsort.ascd.msk.f32 $0xffff, v21, v21  }
0xb7: {  	v30 =	vmin.f32 v22, v18;
	v32 =	vmin.f32 v29, v27;
	v24, _, _ =	vpop (xrf1);
	(xrf1) =	vsort.ascd.msk.f32 $0xffff, v23, v23  }
0xb8: {  	v33 =	vmax.f32 v22, v18;
	v22 =	vmax.f32 v25, v26;
	v21, _, _ =	vpop (xrf1);
	(xrf1) =	vsort.ascd.msk.f32 $0xffff, v30, v30  }
0xb9: {  	v23 =	vmax.f32 v29, v27;
	v27 =	vmin.f32 v31, v32;
	v26 =	vld [tilespmem:s18+$0x20A0];
	v25, _, _ =	vpop (xrf1);
	(xrf1) =	vsort.ascd.msk.f32 $0xffff, v33, v33  }
0xba: {  	v33 =	vmin.f32 v22, v23;
	v29 =	vld [tilespmem:s18+$0x20C0];
	v18, _, _ =	vpop (xrf1);
	(xrf1) =	vsort.ascd.msk.f32 $0xffff, v27, v27  }
0xbb: {  	v23 =	vmax.f32 v22, v23;
	v34 =	vld [tilespmem:s18+$0x70];
	v30, _, _ =	vpop (xrf1);
	(xrf1) =	vsort.ascd.msk.f32 $0xffff, v33, v33  }
0xbc: {  	v31 =	vmax.f32 v31, v32;
	v33 =	vld [tilespmem:s18+$0xB0];
	v22, _, _ =	vpop (xrf1);
	(xrf1) =	vsort.ascd.msk.f32 $0xffff, v23, v23  }
0xbd: {  	v32 =	vld [tilespmem:s18+$0xD0];
	v27, _, _ =	vpop (xrf1);
	(xrf1) =	vsort.ascd.msk.f32 $0xffff, v31, v31  }
0xbe: {  	v31 =	vld [tilespmem:s18+$0xE0];
	v23, _, _ =	vpop (xrf1);
	(xrf1) =	vsort.ascd.msk.f32 $0xffff, v26, v26  }
0xbf: {  	v26 =	vld [tilespmem:s18+$0x2070];
	(xrf1) =	vsort.ascd.msk.f32 $0xffff, v29, v29  }
0xc0: {  	v29 =	vld [tilespmem:s18+$0x20B0];
	(xrf1) =	vsort.ascd.msk.f32 $0xffff, v34, v34  }
0xc1: {  	v34 =	vld [tilespmem:s18+$0x20D0];
	(xrf1) =	vsort.ascd.msk.f32 $0xffff, v33, v33  }
0xc2: {  	v33 =	vld [tilespmem:s18+$0x20E0];
	(xrf1) =	vsort.ascd.msk.f32 $0xffff, v32, v32  }
0xc3: {  	v32 =	vld [tilespmem:s18+$0xF0];
	(xrf1) =	vsort.ascd.msk.f32 $0xffff, v31, v31  }
0xc4: {  	v31 =	vld [tilespmem:s18+$0x20F0];
	(xrf1) =	vsort.ascd.msk.f32 $0xffff, v26, v26;
	v26, _, _ =	vpop (xrf1)  }
0xc5: {  	(xrf1) =	vsort.ascd.msk.f32 $0xffff, v29, v29;
	v29, _, _ =	vpop (xrf1)  }
0xc6: {  	(xrf1) =	vsort.ascd.msk.f32 $0xffff, v34, v34;
	v34, _, _ =	vpop (xrf1)  }
0xc7: {  	(xrf1) =	vsort.ascd.msk.f32 $0xffff, v33, v33;
	v33, _, _ =	vpop (xrf1)  }
0xc8: {  	v35 =	vperm.xlane v19, v0;
	(xrf1) =	vsort.ascd.msk.f32 $0xffff, v32, v32;
	v32, _, _ =	vpop (xrf1)  }
0xc9: {  	(xrf1) =	vsort.ascd.msk.f32 $0xffff, v31, v31;
	v31 =	vperm.xlane v33, v0;
	v33 =	vperm.xlane v34, v0;
	v19, _, _ =	vpop (xrf1)  }
0xca: {  	v36 =	vperm.xlane v26, v0;
	v29 =	vperm.xlane v29, v0;
	v34 =	vmin.f32 v13, v35;
	v26, _, _ =	vpop (xrf1)  }
0xcb: {  	v37 =	vperm.xlane v19, v0;
	(xrf1) =	vsort.ascd.msk.f32 $0xffff, v34, v34;
	v34 =	vperm.xlane v26, v0;
	v26, _, _ =	vpop (xrf1)  }
0xcc: {  	v32 =	vperm.xlane v32, v0;
	v6 =	vmax.f32 v6, v31;
	v19, _, _ =	vpop (xrf1);
	v31 =	vperm.xlane v26, v0  }
0xcd: {  	v2 =	vmax.f32 v2, v36;
	v8 =	vmax.f32 v8, v29;
	v7 =	vmax.f32 v7, v33;
	v26, _, _ =	vpop (xrf1)  }
0xce: {  	v29 =	vmin.f32 v6, v8;
	v6 =	vmax.f32 v6, v8;
	v8 =	vmax.f32 v7, v2;
	v33, _, _ =	vpop (xrf1)  }
0xcf: {  	v2 =	vmin.f32 v7, v2;
	v7 =	vmin.f32 v6, v8;
	v6 =	vmax.f32 v6, v8;
	v36, _, _ =	vpop (xrf1)  }
0xd0: {  	v8 =	vmin.f32 v29, v2;
	v3 =	vmax.f32 v3, v34;
	v38, _, _ =	vpop (xrf1);
	(xrf1) =	vsort.ascd.msk.f32 $0xffff, v6, v6  }
0xd1: {  	v1 =	vmax.f32 v1, v32;
	v4 =	vmax.f32 v4, v37;
	v5 =	vmax.f32 v5, v31;
	v34, _, _ =	vpop (xrf1)  }
0xd2: {  	v31 =	vmin.f32 v3, v5;
	v3 =	vmax.f32 v3, v5;
	v5 =	vmax.f32 v4, v1;
	v6, _, _ =	vpop (xrf1)  }
0xd3: {  	v1 =	vmin.f32 v4, v1;
	v4 =	vmin.f32 v3, v5;
	v3 =	vmax.f32 v3, v5;
	v32, _, _ =	vpop (xrf1)  }
0xd4: {  	v39 =	vmin.f32 v31, v1;
	v1 =	vmax.f32 v31, v1;
	v37, _, _ =	vpop (xrf1);
	(xrf1) =	vsort.ascd.msk.f32 $0xffff, v3, v3  }
0xd5: {  	v2 =	vmax.f32 v29, v2;
	v31, _, _ =	vpop (xrf1);
	(xrf1) =	vsort.ascd.msk.f32 $0xffff, v39, v39  }
0xd6: {  	v5, _, _ =	vpop (xrf1);
	(xrf1) =	vsort.ascd.msk.f32 $0xffff, v1, v1  }
0xd7: {  	v39, _, _ =	vpop (xrf1);
	(xrf1) =	vsort.ascd.msk.f32 $0xffff, v4, v4  }
0xd8: {  	(xrf1) =	vsort.ascd.msk.f32 $0xffff, v8, v8  }
0xd9: {  	v16 =	vperm.xlane v16, v0;
	v29, _, _ =	vpop (xrf1);
	(xrf1) =	vsort.ascd.msk.f32 $0xffff, v2, v2  }
0xda: {  	v1 =	vmax.f32 v13, v35;
	v2 =	vperm.xlane v28, v0;
	(xrf1) =	vsort.ascd.msk.f32 $0xffff, v7, v7  }
0xdb: {  	v3 =	vmin.f32 v9, v16;
	(xrf1) =	vsort.ascd.msk.f32 $0xffff, v1, v1  }
0xdc: {  	v4 =	vperm.xlane v30, v0;
	v1 =	vmin.f32 v14, v2;
	(xrf1) =	vsort.ascd.msk.f32 $0xffff, v3, v3  }
0xdd: {  	v7 =	vmax.f32 v14, v2;
	(xrf1) =	vsort.ascd.msk.f32 $0xffff, v1, v1  }
0xde: {  	v3 =	vmin.f32 v15, v4;
	v1 =	vperm.xlane v33, v0;
	(xrf1) =	vsort.ascd.msk.f32 $0xffff, v7, v7;
	v2, _, _ =	vpop (xrf1)  }
0xdf: {  	v4 =	vmax.f32 v15, v4;
	(xrf1) =	vsort.ascd.msk.f32 $0xffff, v3, v3  }
0xe0: {  	v7 =	vperm.xlane v36, v0;
	v3 =	vmin.f32 v24, v1;
	(xrf1) =	vsort.ascd.msk.f32 $0xffff, v4, v4  }
0xe1: {  	v4 =	vmax.f32 v24, v1;
	(xrf1) =	vsort.ascd.msk.f32 $0xffff, v3, v3  }
0xe2: {  	v6 =	vperm.xlane v6, v0;
	v8 =	vmin.f32 v25, v7;
	(xrf1) =	vsort.ascd.msk.f32 $0xffff, v4, v4;
	v1, _, _ =	vpop (xrf1)  }
0xe3: {  	v13 =	vmax.f32 v25, v7;
	(xrf1) =	vsort.ascd.msk.f32 $0xffff, v8, v8;
	v3, _, _ =	vpop (xrf1)  }
0xe4: {  	v24 =	vperm.xlane v5, v0;
	v8 =	vmin.f32 v27, v6;
	(xrf1) =	vsort.ascd.msk.f32 $0xffff, v13, v13;
	v4, _, _ =	vpop (xrf1)  }
0xe5: {  	v15 =	vmax.f32 v27, v6;
	v13 =	vperm.xlane v20, v0;
	(xrf1) =	vsort.ascd.msk.f32 $0xffff, v8, v8;
	v5, _, _ =	vpop (xrf1)  }
0xe6: {  	v14 =	vperm.xlane v39, v0;
	v25 =	vmin.f32 v34, v24;
	(xrf1) =	vsort.ascd.msk.f32 $0xffff, v15, v15;
	v6, _, _ =	vpop (xrf1)  }
0xe7: {  	v20 =	vmax.f32 v34, v24;
	v15 =	vperm.xlane v21, v0;
	(xrf1) =	vsort.ascd.msk.f32 $0xffff, v25, v25;
	v7, _, _ =	vpop (xrf1)  }
0xe8: {  	v21 =	vperm.xlane v22, v0;
	v22 =	vmin.f32 v31, v14;
	(xrf1) =	vsort.ascd.msk.f32 $0xffff, v20, v20;
	v8, _, _ =	vpop (xrf1)  }
0xe9: {  	v14 =	vmax.f32 v31, v14;
	v20 =	vperm.xlane v23, v0;
	v23, _, _ =	vpop (xrf1);
	(xrf1) =	vsort.ascd.msk.f32 $0xffff, v22, v22  }
0xea: {  	v9 =	vmax.f32 v9, v16;
	v22 =	vperm.xlane v38, v0;
	v25, _, _ =	vpop (xrf1);
	(xrf1) =	vsort.ascd.msk.f32 $0xffff, v14, v14  }
0xeb: {  	v16 =	vperm.xlane v32, v0;
	v14 =	vmin.f32 v11, v13;
	v24, _, _ =	vpop (xrf1);
	(xrf1) =	vsort.ascd.msk.f32 $0xffff, v9, v9  }
0xec: {  	v27 =	vmax.f32 v11, v13;
	v11 =	vperm.xlane v37, v0;
	v13, _, _ =	vpop (xrf1);
	(xrf1) =	vsort.ascd.msk.f32 $0xffff, v14, v14  }
0xed: {  	v28 =	vmin.f32 v10, v15;
	v10 =	vmax.f32 v10, v15;
	(xrf1) =	vsort.ascd.msk.f32 $0xffff, v27, v27;
	v9, _, _ =	vpop (xrf1)  }
0xee: {  	v15 =	vmin.f32 v12, v21;
	v12 =	vmax.f32 v12, v21;
	(xrf1) =	vsort.ascd.msk.f32 $0xffff, v28, v28;
	v14, _, _ =	vpop (xrf1)  }
0xef: {  	v21 =	vmin.f32 v17, v20;
	v17 =	vmax.f32 v17, v20;
	v20, _, _ =	vpop (xrf1);
	(xrf1) =	vsort.ascd.msk.f32 $0xffff, v10, v10  }
0xf0: {  	v10 =	vmin.f32 v18, v22;
	v18 =	vmax.f32 v18, v22;
	v22, _, _ =	vpop (xrf1);
	(xrf1) =	vsort.ascd.msk.f32 $0xffff, v15, v15  }
0xf1: {  	v15 =	vmin.f32 v19, v16;
	v19 =	vmax.f32 v19, v16;
	v16, _, _ =	vpop (xrf1);
	(xrf1) =	vsort.ascd.msk.f32 $0xffff, v12, v12  }
0xf2: {  	v12 =	vmin.f32 v26, v11;
	v11 =	vmax.f32 v26, v11;
	v26, _, _ =	vpop (xrf1);
	(xrf1) =	vsort.ascd.msk.f32 $0xffff, v21, v21  }
0xf3: {  	v24 =	vperm.xlane v24, v0;
	v21 =	vperm.xlane v13, v0;
	v13, _, _ =	vpop (xrf1);
	(xrf1) =	vsort.ascd.msk.f32 $0xffff, v17, v17  }
0xf4: {  	v28 =	vperm.xlane v9, v0;
	v27 =	vperm.xlane v14, v0;
	(xrf1) =	vsort.ascd.msk.f32 $0xffff, v10, v10;
	v9, _, _ =	vpop (xrf1)  }
0xf5: {  	v30 =	vperm.xlane v20, v0;
	v22 =	vperm.xlane v22, v0;
	(xrf1) =	vsort.ascd.msk.f32 $0xffff, v18, v18;
	v10, _, _ =	vpop (xrf1)  }
0xf6: {  	v17 =	vperm.xlane v16, v0;
	v18 =	vperm.xlane v26, v0;
	v14, _, _ =	vpop (xrf1);
	(xrf1) =	vsort.ascd.msk.f32 $0xffff, v15, v15  }
0xf7: {  	v16 =	vperm.xlane v9, v0;
	v15 =	vperm.xlane v13, v0;
	(xrf1) =	vsort.ascd.msk.f32 $0xffff, v19, v19;
	v9, _, _ =	vpop (xrf1)  }
0xf8: {  	v13 =	vperm.xlane v10, v0;
	v14 =	vperm.xlane v14, v0;
	(xrf1) =	vsort.ascd.msk.f32 $0xffff, v12, v12;
	v10, _, _ =	vpop (xrf1)  }
0xf9: {  	v9 =	vperm.xlane v9, v0;
	v10 =	vperm.xlane v10, v0;
	v12, _, _ =	vpop (xrf1);
	(xrf1) =	vsort.ascd.msk.f32 $0xffff, v11, v11  }
0xfa: {  	v20 =	vmax.f32 v29, v21;
	v19 =	vmin.f32 v23, v24;
	v11 =	vmin.f32 v29, v21;
	v26, _, _ =	vpop (xrf1)  }
0xfb: {  	v21 =	vmax.f32 v23, v24;
	v29 =	vmin.f32 v25, v27;
	v23 =	vmin.f32 v11, v19;
	v31, _, _ =	vpop (xrf1)  }
0xfc: {  	v11 =	vmax.f32 v11, v19;
	v19 =	vmin.f32 v12, v28;
	(xrf1) =	vsort.ascd.msk.f32 $0xffff, v23, v23;
	v24, _, _ =	vpop (xrf1)  }
0xfd: {  	v27 =	vmax.f32 v25, v27;
	v23 =	vmin.f32 v20, v21;
	(xrf1) =	vsort.ascd.msk.f32 $0xffff, v11, v11;
	v25, _, _ =	vpop (xrf1)  }
0xfe: {  	v32 =	vmax.f32 v12, v28;
	v11 =	vmax.f32 v20, v21;
	(xrf1) =	vsort.ascd.msk.f32 $0xffff, v23, v23;
	v20, _, _ =	vpop (xrf1)  }
0xff: {  	v33 =	vmin.f32 v26, v22;
	v23 =	vmin.f32 v29, v19;
	(xrf1) =	vsort.ascd.msk.f32 $0xffff, v11, v11;
	v21, _, _ =	vpop (xrf1)  }
.Ltmp0:
0x100: {  	v28 =	vmax.f32 v29, v19;
	v34 =	vmin.f32 v31, v30;
	(xrf1) =	vsort.ascd.msk.f32 $0xffff, v23, v23;
	v12, _, _ =	vpop (xrf1);
	(pc) =	sbr.rel @p0 .LBB2_2-.Ltmp0, $4  }
0x101: {  	v26 =	vmax.f32 v26, v22;
	v19 =	vmin.f32 v27, v32;
	(xrf1) =	vsort.ascd.msk.f32 $0xffff, v28, v28;
	v11, _, _ =	vpop (xrf1)  }
0x102: {  	v29 =	vmax.f32 v27, v32;
	v28 =	vmax.f32 v31, v30;
	v22, _, _ =	vpop (xrf1);
	(xrf1) =	vsort.ascd.msk.f32 $0xffff, v19, v19  }
0x103: {  	v27 =	vmin.f32 v24, v18;
	v31 =	vmin.f32 v33, v34;
	v23, _, _ =	vpop (xrf1);
	(xrf1) =	vsort.ascd.msk.f32 $0xffff, v29, v29  }
0x104: {  	s17 =	sadd.s32 $0x400, s17;
	v30 =	vmax.f32 v33, v34;
	v29 =	vmin.f32 v25, v17;
	(xrf1) =	vsort.ascd.msk.f32 $0xffff, v31, v31;
	v19, _, _ =	vpop (xrf1)  }
0x105: {  	v31 =	vmin.f32 v26, v28;
	v18 =	vmax.f32 v24, v18;
	(xrf1) =	vsort.ascd.msk.f32 $0xffff, v30, v30  }
0x106: {  	v41 =	vmax.f32 v26, v28;
	v17 =	vmax.f32 v25, v17;
	(xrf1) =	vsort.ascd.msk.f32 $0xffff, v31, v31  }
0x107: {  	v42, _, _ =	vpop (xrf1);
	v43 =	vmin.f32 v27, v29;
	v44 =	vmin.f32 v20, v16;
	(xrf1) =	vsort.ascd.msk.f32 $0xffff, v41, v41  }
0x108: {  	v46 =	vmax.f32 v27, v29;
	v47 =	vmin.f32 v21, v15;
	v45, _, _ =	vpop (xrf1);
	(xrf1) =	vsort.ascd.msk.f32 $0xffff, v43, v43  }
0x109: {  	v50 =	vmax.f32 v20, v16;
	v49 =	vmin.f32 v18, v17;
	v48, _, _ =	vpop (xrf1);
	(xrf1) =	vsort.ascd.msk.f32 $0xffff, v46, v46  }
0x10a: {  	v51 =	vmax.f32 v21, v15;
	v52 =	vmin.f32 v44, v47;
	v21, _, _ =	vpop (xrf1);
	(xrf1) =	vsort.ascd.msk.f32 $0xffff, v49, v49  }
0x10b: {  	v53 =	vmin.f32 v22, v14;
	v28 =	vmax.f32 v44, v47;
	v29, _, _ =	vpop (xrf1);
	(xrf1) =	vsort.ascd.msk.f32 $0xffff, v52, v52  }
0x10c: {  	v54 =	vmin.f32 v23, v13;
	v55 =	vmin.f32 v50, v51;
	v31, _, _ =	vpop (xrf1);
	(xrf1) =	vsort.ascd.msk.f32 $0xffff, v28, v28  }
0x10d: {  	v56 =	vmax.f32 v22, v14;
	v15 =	vmax.f32 v50, v51;
	v16, _, _ =	vpop (xrf1);
	(xrf1) =	vsort.ascd.msk.f32 $0xffff, v55, v55  }
0x10e: {  	v57 =	vmax.f32 v23, v13;
	v58 =	vmin.f32 v53, v54;
	v23, _, _ =	vpop (xrf1);
	(xrf1) =	vsort.ascd.msk.f32 $0xffff, v15, v15  }
0x10f: {  	v59 =	vmax.f32 v53, v54;
	v61 =	vmin.f32 v56, v57;
	(xrf1) =	vsort.ascd.msk.f32 $0xffff, v58, v58;
	v22, _, _ =	vpop (xrf1)  }
0x110: {  	v13 =	vmax.f32 v56, v57;
	v60 =	vmin.f32 v45, v10;
	(xrf1) =	vsort.ascd.msk.f32 $0xffff, v59, v59;
	v63, _, _ =	vpop (xrf1)  }
0x111: {  	v30 =	vmax.f32 v45, v10;
	v62 =	vmin.f32 v48, v9;
	(xrf1) =	vsort.ascd.msk.f32 $0xffff, v61, v61;
	v14, _, _ =	vpop (xrf1)  }
0x112: {  	v32 =	vmax.f32 v48, v9;
	v33 =	vmin.f32 v60, v62;
	v34, _, _ =	vpop (xrf1);
	(xrf1) =	vsort.ascd.msk.f32 $0xffff, v13, v13  }
0x113: {  	v19 =	vperm.xlane v19, v0;
	v36 =	vmin.f32 v30, v32;
	v37, _, _ =	vpop (xrf1);
	(xrf1) =	vsort.ascd.msk.f32 $0xffff, v33, v33  }
0x114: {  	v35 =	vperm.xlane v42, v0;
	v9 =	vmax.f32 v30, v32;
	v38, _, _ =	vpop (xrf1);
	(xrf1) =	vsort.ascd.msk.f32 $0xffff, v36, v36  }
0x115: {  	v41 =	vmax.f32 v18, v17;
	v20 =	vmax.f32 v60, v62;
	v40, _, _ =	vpop (xrf1);
	(xrf1) =	vsort.ascd.msk.f32 $0xffff, v9, v9  }
0x116: {  	v42 =	vmin.f32 v11, v19;
	v39 =	vmin.f32 v12, v35;
	v43, _, _ =	vpop (xrf1);
	(xrf1) =	vsort.ascd.msk.f32 $0xffff, v20, v20  }
0x117: {  	v45 =	vmin.f32 v39, v42;
	v46, _, _ =	vpop (xrf1);
	(xrf1) =	vsort.ascd.msk.f32 $0xffff, v41, v41  }
0x118: {  	v49, _, _ =	vpop (xrf1);
	(xrf1) =	vsort.ascd.msk.f32 $0xffff, v45, v45  }
0x119: {  	v47 =	vmax.f32 v11, v19;
	v51, _, _ =	vpop (xrf1)  }
0x11a: {  	v44 =	vmax.f32 v12, v35;
	v48 =	vmax.f32 v39, v42;
	v26 =	vperm.xlane v34, v0;
	v52, _, _ =	vpop (xrf1)  }
0x11b: {  	v50 =	vmin.f32 v44, v47;
	v27 =	vperm.xlane v37, v0;
	v10 =	vperm.xlane v38, v0;
	v53, _, _ =	vpop (xrf1)  }
0x11c: {  	v9 =	vmax.f32 v44, v47;
	v16 =	vmax.f32 v16, v26;
	v56 =	vperm.xlane v40, v0;
	v54, _, _ =	vpop (xrf1)  }
0x11d: {  	v27 =	vmax.f32 v31, v27;
	v10 =	vmax.f32 v29, v10;
	(xrf1) =	vsort.ascd.msk.f32 $0xffff, v48, v48;
	v55, _, _ =	vpop (xrf1)  }
0x11e: {  	(xrf1) =	vsort.ascd.msk.f32 $0xffff, v50, v50;
	v19 =	vperm.xlane v51, v0;
	v11 =	vperm.xlane v52, v0;
	v57, _, _ =	vpop (xrf1)  }
0x11f: {  	v21 =	vmax.f32 v21, v56;
	(xrf1) =	vsort.ascd.msk.f32 $0xffff, v9, v9;
	v12 =	vperm.xlane v53, v0;
	v58, _, _ =	vpop (xrf1)  }
0x120: {  	v14 =	vmax.f32 v14, v19;
	v9 =	vperm.xlane v54, v0;
	v11 =	vmax.f32 v63, v11;
	v59, _, _ =	vpop (xrf1)  }
0x121: {  	v13 =	vperm.xlane v55, v0;
	v12 =	vmax.f32 v22, v12;
	v25 =	vperm.xlane v57, v0;
	v32, _, _ =	vpop (xrf1)  }
0x122: {  	v9 =	vmax.f32 v23, v9;
	v38 =	vmin.f32 v12, v14;
	v28 =	vperm.xlane v58, v0;
	v33, _, _ =	vpop (xrf1)  }
0x123: {  	v37 =	vmin.f32 v9, v11;
	v30 =	vperm.xlane v59, v0;
	v17 =	vmax.f32 v49, v25;
	v34, _, _ =	vpop (xrf1)  }
0x124: {  	v32 =	vperm.xlane v32, v0;
	v20 =	vmax.f32 v46, v28;
	v33 =	vperm.xlane v33, v0;
	v35, _, _ =	vpop (xrf1)  }
0x125: {  	v18 =	vmax.f32 v43, v30;
	v43 =	vmin.f32 v37, v38;
	v34 =	vperm.xlane v34, v0;
	v61, _, _ =	vpop (xrf1)  }
0x126: {  	v40 =	vmin.f32 v18, v17;
	v42 =	vmax.f32 v18, v17;
	v60 =	vperm.xlane v35, v0;
	v62, _, _ =	vpop (xrf1)  }
0x127: {  	v35 =	vmin.f32 v10, v16;
	v30 =	vmax.f32 v62, v34;
	v34 =	vmin.f32 v21, v27  }
0x128: {  	v10 =	vmax.f32 v10, v16;
	v13 =	vmax.f32 v61, v13;
	v36 =	vmin.f32 v34, v35  }
0x129: {  	v21 =	vmax.f32 v21, v27;
	v24 =	vmax.f32 v34, v35;
	(xrf1) =	vsort.ascd.msk.f32 $0xffff, v36, v36  }
0x12a: {  	v41 =	vmin.f32 v20, v13;
	v39 =	vmin.f32 v21, v10;
	(xrf1) =	vsort.ascd.msk.f32 $0xffff, v24, v24  }
0x12b: {  	v63, _, _ =	vpop (xrf1);
	v44 =	vmax.f32 v20, v13;
	v10 =	vmax.f32 v21, v10;
	(xrf1) =	vsort.ascd.msk.f32 $0xffff, v39, v39  }
0x12c: {  	v29, _, _ =	vpop (xrf1);
	v15 =	vmax.f32 v63, v33;
	v45 =	vmin.f32 v40, v41;
	(xrf1) =	vsort.ascd.msk.f32 $0xffff, v10, v10  }
0x12d: {  	v46 =	vmax.f32 v40, v41;
	v48 =	vmin.f32 v42, v44;
	v31, _, _ =	vpop (xrf1);
	(xrf1) =	vsort.ascd.msk.f32 $0xffff, v43, v43  }
0x12e: {  	v19 =	vmax.f32 v29, v60;
	v23 =	vmax.f32 v31, v32;
	(xrf1) =	vsort.ascd.msk.f32 $0xffff, v45, v45  }
0x12f: {  	v47 =	vmin.f32 v30, v19;
	v50 =	vmax.f32 v30, v19;
	(xrf1) =	vsort.ascd.msk.f32 $0xffff, v46, v46  }
0x130: {  	v49 =	vmin.f32 v15, v23;
	v10 =	vmax.f32 v42, v44;
	(xrf1) =	vsort.ascd.msk.f32 $0xffff, v48, v48  }
0x131: {  	v51 =	vmax.f32 v15, v23;
	v52 =	vmin.f32 v47, v49;
	(xrf1) =	vsort.ascd.msk.f32 $0xffff, v10, v10  }
0x132: {  	v53 =	vmin.f32 v50, v51;
	(xrf1) =	vsort.ascd.msk.f32 $0xffff, v52, v52  }
0x133: {  	(xrf1) =	vsort.ascd.msk.f32 $0xffff, v53, v53  }
0x134: {  	v13 =	vmax.f32 v50, v51  }
0x135: {  	v55 =	vmax.f32 v12, v14;
	v54 =	vmax.f32 v47, v49;
	(xrf1) =	vsort.ascd.msk.f32 $0xffff, v13, v13  }
0x136: {  	v9 =	vmax.f32 v9, v11;
	v56 =	vmax.f32 v37, v38;
	(xrf1) =	vsort.ascd.msk.f32 $0xffff, v54, v54  }
0x137: {  	v57 =	vmin.f32 v9, v55;
	(xrf1) =	vsort.ascd.msk.f32 $0xffff, v56, v56;
	v58, _, _ =	vpop (xrf1)  }
0x138: {  	v9 =	vmax.f32 v9, v55;
	(xrf1) =	vsort.ascd.msk.f32 $0xffff, v57, v57;
	v59, _, _ =	vpop (xrf1)  }
0x139: {  	(xrf1) =	vsort.ascd.msk.f32 $0xffff, v9, v9;
	v60, _, _ =	vpop (xrf1)  }
0x13a: {  	v61, _, _ =	vpop (xrf1)  }
0x13b: {  	v62, _, _ =	vpop (xrf1)  }
0x13c: {  	v63, _, _ =	vpop (xrf1)  }
0x13d: {  	v21, _, _ =	vpop (xrf1)  }
0x13e: {  	v22, _, _ =	vpop (xrf1)  }
0x13f: {  	v14 =	vperm.xlane v63, v0;
	v15 =	vperm.xlane v21, v0;
	v23, _, _ =	vpop (xrf1)  }
0x140: {  	v16 =	vperm.xlane v22, v0;
	v24, _, _ =	vpop (xrf1)  }
0x141: {  	v12 =	vmax.f32 v61, v14;
	v17 =	vperm.xlane v23, v0;
	v9 =	vmax.f32 v60, v15;
	v25, _, _ =	vpop (xrf1)  }
0x142: {  	v18 =	vperm.xlane v24, v0;
	v10 =	vmax.f32 v59, v16;
	v19 =	vperm.xlane v25, v0  }
0x143: {  	v26, _, _ =	vpop (xrf1);
	v11 =	vmax.f32 v58, v17;
	v34 =	vmin.f32 v10, v12;
	v10 =	vmax.f32 v10, v12  }
0x144: {  	v20 =	vperm.xlane v26, v0;
	v27, _, _ =	vpop (xrf1);
	v33 =	vmin.f32 v11, v9;
	v9 =	vmax.f32 v11, v9  }
0x145: {  	v28 =	vperm.xlane v27, v0;
	v29, _, _ =	vpop (xrf1);
	v35 =	vmin.f32 v33, v34;
	v36 =	vmax.f32 v33, v34  }
0x146: {  	v38 =	vmin.f32 v9, v10;
	v9 =	vmax.f32 v9, v10;
	v30, _, _ =	vpop (xrf1);
	v13 =	vmax.f32 v62, v20  }
0x147: {  	v31 =	vmax.f32 v29, v19;
	(xrf1) =	vsort.ascd.msk.f32 $0xffff, v35, v35;
	v14 =	vmax.f32 v30, v28;
	v32, _, _ =	vpop (xrf1)  }
0x148: {  	(xrf1) =	vsort.ascd.msk.f32 $0xffff, v36, v36;
	v16 =	vmax.f32 v32, v18;
	v37 =	vmin.f32 v13, v14  }
0x149: {  	v39 =	vmax.f32 v13, v14;
	(xrf1) =	vsort.ascd.msk.f32 $0xffff, v38, v38;
	v18 =	vmin.f32 v31, v16  }
0x14a: {  	v40 =	vmax.f32 v31, v16;
	(xrf1) =	vsort.ascd.msk.f32 $0xffff, v9, v9;
	v41 =	vmin.f32 v37, v18  }
0x14b: {  	v42 =	vmin.f32 v39, v40;
	(xrf1) =	vsort.ascd.msk.f32 $0xffff, v41, v41  }
0x14c: {  	v10 =	vmax.f32 v39, v40;
	(xrf1) =	vsort.ascd.msk.f32 $0xffff, v42, v42  }
0x14d: {  	v43 =	vmax.f32 v37, v18;
	(xrf1) =	vsort.ascd.msk.f32 $0xffff, v10, v10  }
0x14e: {  	(xrf1) =	vsort.ascd.msk.f32 $0xffff, v43, v43;
	_ =	sdelay $0x6  }
0x14f: {  	v44, _, _ =	vpop (xrf1)  }
0x150: {  	v45, _, _ =	vpop (xrf1)  }
0x151: {  	v46, _, _ =	vpop (xrf1)  }
0x152: {  	v9 =	vperm.xlane v44, v0;
	v10 =	vperm.xlane v45, v0;
	v47, _, _ =	vpop (xrf1)  }
0x153: {  	v11 =	vperm.xlane v46, v0;
	v12 =	vperm.xlane v47, v0;
	v48, _, _ =	vpop (xrf1)  }
0x154: {  	v2 =	vmax.f32 v2, v9;
	v49, _, _ =	vpop (xrf1)  }
0x155: {  	v8 =	vmax.f32 v8, v10;
	v7 =	vmax.f32 v7, v11;
	v6 =	vmax.f32 v6, v12;
	v50, _, _ =	vpop (xrf1)  }
0x156: {  	v53 =	vperm.xlane v48, v0;
	v11 =	vmax.f32 v7, v2;
	v14 =	vperm.xlane v49, v0;
	v51, _, _ =	vpop (xrf1)  }
0x157: {  	v10 =	vmax.f32 v6, v8;
	v15 =	vperm.xlane v50, v0;
	v52 =	vperm.xlane v51, v0  }
0x158: {  	v54 =	vmax.f32 v10, v11;
	v1 =	vmax.f32 v1, v53  }
0x159: {  	v4 =	vmax.f32 v4, v14;
	v3 =	vmax.f32 v3, v15;
	v5 =	vmax.f32 v5, v52  }
0x15a: {  	(xrf1) =	vsort.ascd.msk.f32 $0xffff, v54, v54;
	v56 =	vmax.f32 v4, v1;
	v55 =	vmax.f32 v3, v5  }
0x15b: {  	v1 =	vmin.f32 v4, v1;
	v3 =	vmin.f32 v3, v5;
	v57 =	vmax.f32 v55, v56  }
0x15c: {  	v5 =	vmin.f32 v3, v1;
	(xrf1) =	vsort.ascd.msk.f32 $0xffff, v57, v57  }
0x15d: {  	v2 =	vmin.f32 v7, v2;
	v1 =	vmax.f32 v3, v1;
	(xrf1) =	vsort.ascd.msk.f32 $0xffff, v5, v5  }
0x15e: {  	v58 =	vmin.f32 v6, v8;
	v3 =	vmin.f32 v55, v56;
	(xrf1) =	vsort.ascd.msk.f32 $0xffff, v1, v1  }
0x15f: {  	v1 =	vmin.f32 v58, v2;
	(xrf1) =	vsort.ascd.msk.f32 $0xffff, v3, v3  }
0x160: {  	v2 =	vmax.f32 v58, v2;
	(xrf1) =	vsort.ascd.msk.f32 $0xffff, v1, v1  }
0x161: {  	v1 =	vmin.f32 v10, v11;
	(xrf1) =	vsort.ascd.msk.f32 $0xffff, v2, v2  }
0x162: {  	(xrf1) =	vsort.ascd.msk.f32 $0xffff, v1, v1;
	_ =	sdelay $0x6  }
0x163: {  	v1, _, _ =	vpop (xrf1)  }
0x164: {  	v2, _, _ =	vpop (xrf1)  }
0x165: {  	v3, _, _ =	vpop (xrf1)  }
0x166: {  	v59, _, _ =	vpop (xrf1)  }
0x167: {  	v60, _, _ =	vpop (xrf1)  }
0x168: {  	v1 =	vperm.xlane v1, v0;
	v61, _, _ =	vpop (xrf1)  }
0x169: {  	v62, _, _ =	vpop (xrf1);
	v6 =	vperm.xlane v61, v0  }
0x16a: {  	[tilespmem:$0x4000] =	vst v1;
	v63, _, _ =	vpop (xrf1);
	v1 =	vperm.xlane v62, v0  }
0x16b: {  	v8 =	vperm.xlane v63, v0;
	[tilespmem:$0x4030] =	vst v6  }
0x16c: {  	[tilespmem:$0x4020] =	vst v1;
	v1 =	vperm.xlane v2, v0  }
0x16d: {  	v2 =	vperm.xlane v60, v0;
	[tilespmem:$0x4010] =	vst v8  }
0x16e: {  	[tilespmem:$0x4080] =	vst v1;
	v1 =	vperm.xlane v59, v0  }
0x16f: {  	[tilespmem:$0x4090] =	vst v2;
	v2 =	vperm.xlane v3, v0  }
0x170: {  	[tilespmem:$0x40A0] =	vst v1  }
0x171: {  	[tilespmem:$0x40B0] =	vst v2  }
0x172: {  	[hbm4b:s5+s2] =	stream.linear.scatter [tilespmem:s13], [sflag:$0x3], $0x80, $0x38;
	[tilespmem:$0x4100] =	vst v63  }
0x173: {  	s16 =	sadd.s32 $0x1, s16;
	_ =	swait.ge [sflag:s14], $0x80  }
0x174: {  	p0 =	sne.s32 s16, s7;
	[sflag:s14] =	ssyncset.done $0x0  }
.Ltmp1:
0x175: {  	[sflag:s14] =	ssyncadd.s32 $0xFFFFFF80;
	(pc) =	sbr.rel @p0 .LBB2_1-.Ltmp1, $4  }
0x176: {  	[hbm4b:s6+s2] =	stream.linear.scatter [tilespmem:s15], [sflag:$0x3], $0x80, $0x38;
	[tilespmem:$0x4100] =	vst v63  }
0x177: {  	_ =	swait.ge [sflag:s14], $0x80  }
0x178: {  	[sflag:s14] =	ssyncset.done $0x0  }
0x179: {  	[sflag:s14] =	ssyncadd.s32 $0xFFFFFF80  }
0x17a: {  	_ =	sfence.sel $0x180000  }
0x17b: {  	[bflag:$0x0] =	sbarrier.arrive $0xFFFF  }
0x17c: {  	p0 =	sne.s32 s1, $0x0;
	_ =	strace $0x90000047  }
0x17d: {  	s0 =	sadd.s32 @!p0 $0x100000, s0;
	[bflag:$0x2] =	sbarrier.arrive $0xFFFF  }
0x17e: {  	[sflag:s0] =	ssyncadd.tile.s32 @!p0 $0x1;
	_ =	shalt  }
.Lfunc_end2:
_tile_overlayer_lowered:
.L_overlay_start_2:
0x17f: {  	(tag) =	ssettag $0x2  }
0x180: {  	s0 =	rddreg [dreg:$0x0];
	s2 =	stileid.u32  }
0x181: {  	s1 =	rddreg [dreg:$0x1];
	p0 =	sne.s32 s2, $0x0  }
0x182: {  	s3 =	rddreg [dreg:$0x2];
	[bflag:$0x3] =	sbarrier.arrive $0xFFFF;
	s2 =	simm.s32 @!p0 $0x1C03  }
0x183: {  	[timem:s3], [sflag:s2] =	dma.local @!p0 [hbm:s0], s1  }
0x184: {  	s0 =	simm.s32 @!p0 $0x3  }
0x185: {  	_ =	swait.ge @!p0 [sflag:s0], s1  }
0x186: {  	s1 =	ssub.s32 @!p0 $0x0, s1;
	[sflag:s0] =	ssyncset.done @!p0 $0x0  }
0x187: {  	[sflag:s0] =	ssyncadd.s32 @!p0 s1  }
0x188: {  	[bflag:$0x3] =	sbarrier.arrive $0xFFFF  }
0x189: {  	_ =	shalt  }

</sc_bundles>
